<compile_context>
chip_gen: v7x
topology: tpu7x:2x2x1
jax: 0.10.2.dev20260603
libtpu: 0.0.44.dev20260713+nightly
codegen_flags: <defaults>
</compile_context>

<pallas_src>
import jax
import jax.numpy as jnp
from jax import lax
from jax.experimental import pallas as pl
from jax.experimental.pallas import tpu as pltpu
from jax.experimental.pallas import tpu_sc as plsc

N = 10000
E = 320000
D = 128
R = 8

NC = 2
NS = 16
DH = D // NC
C = 128
EPW = E // NS
NCHUNK = EPW // C
TAIL = EPW - NCHUNK * C
NP = 10240
RPT = NP // NS
BN = 1000


def _y_body(x_ref, w2_ref, y_ref):
    h = lax.dot_general(
        x_ref[...], w2_ref[...], (((1,), (0,)), ((), ())),
        preferred_element_type=jnp.float32)
    for r in range(R):
        y_ref[r] = h[:, r * D:(r + 1) * D]


def _compute_y(x, w2):
    return pl.pallas_call(
        _y_body,
        grid=(N // BN,),
        in_specs=[
            pl.BlockSpec((BN, D), lambda i: (i, 0)),
            pl.BlockSpec((D, R * D), lambda i: (0, 0)),
        ],
        out_specs=pl.BlockSpec((R, BN, D), lambda i: (0, i, 0)),
        out_shape=jax.ShapeDtypeStruct((R, N, D), jnp.float32),
    )(x, w2)


EB = E // 10


def _edge_prep_body(ei_ref, et_ref, ia_ref, ib_ref, dst_ref):
    base = (et_ref[...] * N + ei_ref[0]) * 2
    ia_ref[...] = base
    ib_ref[...] = base + 1
    dst_ref[...] = ei_ref[1]


def _edge_prep(ei, et):
    return pl.pallas_call(
        _edge_prep_body,
        out_shape=[
            jax.ShapeDtypeStruct((E,), jnp.int32),
            jax.ShapeDtypeStruct((E,), jnp.int32),
            jax.ShapeDtypeStruct((E,), jnp.int32),
        ],
    )(ei, et)


def _sc_body(y_hbm, ia_hbm, ib_hbm, dst_hbm, z2_hbm, z1_hbm,
             agg_out, deg_out,
             idx_v, dst_v, rows_v, ones_v, agg_sh, deg_sh, sem, sem_s):
    cid = lax.axis_index("c")
    sid = lax.axis_index("s")

    slab = pl.ds(sid * RPT, RPT)
    pltpu.sync_copy(z2_hbm.at[slab], agg_sh.at[slab])

    @pl.when(cid == 1)
    def _():
        pltpu.sync_copy(z1_hbm.at[slab], deg_sh.at[slab])

    eslab = pl.ds(sid * EPW, EPW)

    @pl.when(cid == 0)
    def _():
        pltpu.sync_copy(ia_hbm.at[eslab], idx_v)

    @pl.when(cid == 1)
    def _():
        pltpu.sync_copy(ib_hbm.at[eslab], idx_v)

    pltpu.sync_copy(dst_hbm.at[eslab], dst_v)

    def dlist(j):
        return dst_v.at[pl.ds(j * C, C)]

    for i in range(C // 16):
        ones_v[pl.ds(i * 16, 16)] = jnp.ones((16,), jnp.float32)

    plsc.subcore_barrier()

    def run(with_deg):
        def start_gather(j, p):
            pltpu.async_copy(
                y_hbm.at[idx_v.at[pl.ds(j * C, C)]], rows_v.at[p], sem)

        def wait_gather(j, p):
            pltpu.make_async_copy(
                y_hbm.at[idx_v.at[pl.ds(j * C, C)]], rows_v.at[p], sem).wait()

        def start_scatter(j, p):
            pltpu.async_copy(rows_v.at[p], agg_sh.at[dlist(j)], sem_s,
                             add=True)
            if with_deg:
                pltpu.async_copy(ones_v, deg_sh.at[dlist(j)], sem_s,
                                 add=True)

        def wait_scatter(j, p):
            pltpu.make_async_copy(rows_v.at[p], agg_sh.at[dlist(j)],
                                  sem_s).wait()
            if with_deg:
                pltpu.make_async_copy(ones_v, deg_sh.at[dlist(j)],
                                      sem_s).wait()

        start_gather(0, 0)
        start_gather(1, 1)

        def body(j, carry):
            p = lax.bitwise_and(j, 3)
            wait_gather(j, p)
            start_scatter(j, p)
            pl.when(j >= 2)(lambda: wait_scatter(j - 2,
                                                 lax.bitwise_and(j - 2, 3)))
            pl.when(j + 2 < NCHUNK)(
                lambda: start_gather(j + 2, lax.bitwise_and(j + 2, 3)))
            return carry
        lax.fori_loop(0, NCHUNK, body, 0)

        wait_scatter(NCHUNK - 2, (NCHUNK - 2) % 4)
        wait_scatter(NCHUNK - 1, (NCHUNK - 1) % 4)

        tslab = pl.ds(NCHUNK * C, TAIL)
        pltpu.async_copy(y_hbm.at[idx_v.at[tslab]],
                         rows_v.at[0, pl.ds(0, TAIL)], sem)
        pltpu.make_async_copy(y_hbm.at[idx_v.at[tslab]],
                              rows_v.at[0, pl.ds(0, TAIL)], sem).wait()
        pltpu.sync_copy(rows_v.at[0, pl.ds(0, TAIL)],
                        agg_sh.at[dst_v.at[tslab]], add=True)
        if with_deg:
            pltpu.sync_copy(ones_v.at[pl.ds(0, TAIL)],
                            deg_sh.at[dst_v.at[tslab]], add=True)

    @pl.when(cid == 0)
    def _():
        run(False)

    @pl.when(cid == 1)
    def _():
        run(True)

    plsc.subcore_barrier()

    pltpu.sync_copy(agg_sh.at[slab],
                    agg_out.at[slab, pl.ds(cid * DH, DH)])

    @pl.when(cid == 1)
    def _():
        pltpu.sync_copy(deg_sh.at[slab], deg_out.at[slab])


def _sc_aggregate(yf, ia2, ib2, dst2, z2, z1):
    mesh = plsc.VectorSubcoreMesh(core_axis_name="c", subcore_axis_name="s",
                                  num_cores=NC, num_subcores=NS)
    k = pl.kernel(
        _sc_body,
        out_type=(jax.ShapeDtypeStruct((NP, D), jnp.float32),
                  jax.ShapeDtypeStruct((NP,), jnp.float32)),
        mesh=mesh,
        scratch_types=[
            pltpu.VMEM((EPW,), jnp.int32),
            pltpu.VMEM((EPW,), jnp.int32),
            pltpu.VMEM((4, C, DH), jnp.float32),
            pltpu.VMEM((C,), jnp.float32),
            pltpu.VMEM_SHARED((NP, DH), jnp.float32),
            pltpu.VMEM_SHARED((NP,), jnp.float32),
            pltpu.SemaphoreType.DMA,
            pltpu.SemaphoreType.DMA,
        ],
        compiler_params=pltpu.CompilerParams(use_tc_tiling_on_sc=False),
    )
    return k(yf, ia2, ib2, dst2, z2, z1)


def _combine_body(x_ref, w_ref, b_ref, pa_ref, pd_ref, o_ref):
    deg = jnp.maximum(pd_ref[...], 1.0)
    h = lax.dot_general(x_ref[...], w_ref[...], (((1,), (1,)), ((), ())),
                        preferred_element_type=jnp.float32)
    o_ref[...] = jnp.maximum(h + b_ref[...] + pa_ref[...] / deg, 0.0)


def _combine(x, self_w, self_b, pa, pd):
    return pl.pallas_call(
        _combine_body,
        grid=(N // BN,),
        in_specs=[
            pl.BlockSpec((BN, D), lambda i: (i, 0)),
            pl.BlockSpec((D, D), lambda i: (0, 0)),
            pl.BlockSpec((1, D), lambda i: (0, 0)),
            pl.BlockSpec((BN, D), lambda i: (i, 0)),
            pl.BlockSpec((BN, 1), lambda i: (i, 0)),
        ],
        out_specs=pl.BlockSpec((BN, D), lambda i: (i, 0)),
        out_shape=jax.ShapeDtypeStruct((N, D), jnp.float32),
    )(x, self_w, self_b.reshape(1, D), pa, pd)


def kernel(x, edge_index, edge_type, rel_weight, self_w, self_b):
    ei = edge_index.astype(jnp.int32)
    et1 = edge_type.astype(jnp.int32)

    ia2, ib2, dst2 = _edge_prep(ei, et1)

    w2 = jnp.transpose(rel_weight, (1, 0, 2)).reshape(D, R * D)
    y = _compute_y(x, w2)
    yf = y.reshape(2 * R * N, DH)

    z2 = jnp.zeros((NP, DH), jnp.float32)
    z1 = jnp.zeros((NP,), jnp.float32)
    pa, pd = _sc_aggregate(yf, ia2, ib2, dst2, z2, z1)

    return _combine(x, self_w, self_b, pa, pd.reshape(NP, 1))

# --- scband reference (transcript-rebuilt; emitter-appended) ---
"""Pipeline reference for scband-sasilpconv-layer-75831942578725 (READ-ONLY COPY).

The authoritative reference and input builder live on the scoring server;
editing this copy changes nothing except your own understanding.
"""

import jax, jax.numpy as jnp
import numpy as np

N = 10000
E = 320000
D_IN = 128
D_OUT = 128
R = 8


def setup_inputs(seed: int = 0) -> dict:
    key = jax.random.key(seed)
    k1, k2, k3, k4, k5 = jax.random.split(key, 5)
    x = jax.random.normal(k1, (N, D_IN), dtype=jnp.float32)
    edge_index = jax.random.randint(k2, (2, E), 0, N, dtype=jnp.int64) if jax.config.jax_enable_x64 else jax.random.randint(k2, (2, E), 0, N).astype(jnp.int32)
    edge_type = jax.random.randint(k3, (E,), 0, R).astype(jnp.int32)
    # xavier_uniform init for rel_weight (R, in, out) and self_loop weight (out, in)
    limit_rel = float(np.sqrt(6.0 / (D_IN + D_OUT)))
    rel_weight = jax.random.uniform(k4, (R, D_IN, D_OUT), dtype=jnp.float32, minval=-limit_rel, maxval=limit_rel)
    self_w = jax.random.uniform(k5, (D_OUT, D_IN), dtype=jnp.float32, minval=-limit_rel, maxval=limit_rel)
    self_b = jnp.zeros((D_OUT,), dtype=jnp.float32)
    return {"x": x, "edge_index": edge_index, "edge_type": edge_type,
            "rel_weight": rel_weight, "self_w": self_w, "self_b": self_b}


def reference(x, edge_index, edge_type, rel_weight, self_w, self_b):
    n = x.shape[0]
    out = x @ self_w.T + self_b  # self-loop Linear
    src = edge_index[0]
    dst = edge_index[1]
    xs = jnp.take(x, src, axis=0)  # (E, in_dim) gather
    agg = jnp.zeros((n, rel_weight.shape[2]), dtype=x.dtype)
    for r_idx in range(rel_weight.shape[0]):
        mask = (edge_type == r_idx).astype(x.dtype)[:, None]
        msg_r = (xs @ rel_weight[r_idx]) * mask  # zero out edges of other relations
        agg = agg + jax.ops.segment_sum(msg_r, dst, num_segments=n)
    deg = jax.ops.segment_sum(jnp.ones((dst.shape[0],), dtype=x.dtype), dst, num_segments=n)
    deg = jnp.clip(deg, 1.0)[:, None]
    out = out + agg / deg
    return jax.nn.relu(out)

if __name__ == "__main__":
    import jax
    _d = setup_inputs()
    print(jax.jit(kernel)(*tuple(_d.values())))

</pallas_src>

<mosaic_0001>
#map = affine_map<(d0, d1) -> (0, 0)>
#map1 = affine_map<(d0, d1) -> (0)>
module attributes {stable_mosaic.version = 14 : i64} {
  func.func @_sc_body(%arg0: i32, %arg1: i32, %arg2: memref<160000x64xf32, #tpu.memory_space<hbm>>, %arg3: memref<320000xi32, #tpu.memory_space<hbm>>, %arg4: memref<320000xi32, #tpu.memory_space<hbm>>, %arg5: memref<320000xi32, #tpu.memory_space<hbm>>, %arg6: memref<10240x64xf32, #tpu.memory_space<hbm>>, %arg7: memref<10240xf32, #tpu.memory_space<hbm>>, %arg8: memref<10240x128xf32, #tpu.memory_space<hbm>>, %arg9: memref<10240xf32, #tpu.memory_space<hbm>>, %arg10: memref<20000xi32, #tpu.memory_space<vmem>>, %arg11: memref<20000xi32, #tpu.memory_space<vmem>>, %arg12: memref<4x128x64xf32, #tpu.memory_space<vmem>>, %arg13: memref<128xf32, #tpu.memory_space<vmem>>, %arg14: memref<10240x64xf32, #tpu.memory_space<vmem_shared>>, %arg15: memref<10240xf32, #tpu.memory_space<vmem_shared>>, %arg16: memref<!tpu.dma_semaphore, #tpu.memory_space<semaphore_mem>>, %arg17: memref<!tpu.dma_semaphore, #tpu.memory_space<semaphore_mem>>) attributes {dimension_semantics = [#tpu.dimension_semantics<core_parallel>, #tpu.dimension_semantics<subcore_parallel>], iteration_bounds = array<i64: 2, 16>, scalar_prefetch = 0 : i64, scratch_operands = 8 : i64, tpu.core_type = #tpu.core_type<sc_vector_subcore>, window_params = [{transform_indices = #map}, {transform_indices = #map1}, {transform_indices = #map1}, {transform_indices = #map1}, {transform_indices = #map}, {transform_indices = #map1}, {transform_indices = #map}, {transform_indices = #map1}]} {
    %mul3A = arith.constant 640 : i32
    %mul3A_0 = arith.muli %arg1, %mul3A : i32
    "tpu.region"() ({
      %run_scoped3A = tpu.sem_alloc : memref<!tpu.dma_semaphore, #tpu.memory_space<semaphore_mem>>
      %dma_start3A = arith.constant 0 : i32
      %dma_start3A_79 = tpu.memref_slice %arg14[%mul3A_0, %dma_start3A] : memref<10240x64xf32, #tpu.memory_space<vmem_shared>> -> memref<640x64xf32, #tpu.memory_space<vmem_shared>>
      %dma_start3A_80 = arith.constant 0 : i32
      %dma_start3A_81 = tpu.memref_slice %arg6[%mul3A_0, %dma_start3A_80] : memref<10240x64xf32, #tpu.memory_space<hbm>> -> memref<640x64xf32, #tpu.memory_space<hbm>>
      tpu.enqueue_dma source(%dma_start3A_81 : memref<640x64xf32, #tpu.memory_space<hbm>>) target(%dma_start3A_79 : memref<640x64xf32, #tpu.memory_space<vmem_shared>>) target_semaphore(%run_scoped3A : memref<!tpu.dma_semaphore, #tpu.memory_space<semaphore_mem>>)
      %dma_wait3A = arith.constant 0 : i32
      %dma_wait3A_82 = tpu.memref_slice %arg14[%mul3A_0, %dma_wait3A] : memref<10240x64xf32, #tpu.memory_space<vmem_shared>> -> memref<640x64xf32, #tpu.memory_space<vmem_shared>>
      %dma_wait3A_83 = arith.constant 0 : i32
      %dma_wait3A_84 = tpu.memref_slice %arg6[%mul3A_0, %dma_wait3A_83] : memref<10240x64xf32, #tpu.memory_space<hbm>> -> memref<640x64xf32, #tpu.memory_space<hbm>>
      tpu.wait_dma2 semaphore(%run_scoped3A : memref<!tpu.dma_semaphore, #tpu.memory_space<semaphore_mem>>) src(%dma_wait3A_84 : memref<640x64xf32, #tpu.memory_space<hbm>>) dst(%dma_wait3A_82 : memref<640x64xf32, #tpu.memory_space<vmem_shared>>)
      tpu.yield
    }) : () -> ()
    %eq3A = arith.constant 1 : i32
    %eq3A_1 = arith.cmpi eq, %arg0, %eq3A : i32
    %convert_element_type3A = arith.extui %eq3A_1 : i1 to i32
    %cond3A = arith.constant 0 : i32
    %cond3A_2 = arith.cmpi ne, %convert_element_type3A, %cond3A : i32
    scf.if %cond3A_2 {
      "tpu.region"() ({
        %run_scoped3A = tpu.sem_alloc : memref<!tpu.dma_semaphore, #tpu.memory_space<semaphore_mem>>
        %dma_start3A = tpu.memref_slice %arg15[%mul3A_0] : memref<10240xf32, #tpu.memory_space<vmem_shared>> -> memref<640xf32, #tpu.memory_space<vmem_shared>>
        %dma_start3A_79 = tpu.memref_slice %arg7[%mul3A_0] : memref<10240xf32, #tpu.memory_space<hbm>> -> memref<640xf32, #tpu.memory_space<hbm>>
        tpu.enqueue_dma source(%dma_start3A_79 : memref<640xf32, #tpu.memory_space<hbm>>) target(%dma_start3A : memref<640xf32, #tpu.memory_space<vmem_shared>>) target_semaphore(%run_scoped3A : memref<!tpu.dma_semaphore, #tpu.memory_space<semaphore_mem>>)
        %dma_wait3A = tpu.memref_slice %arg15[%mul3A_0] : memref<10240xf32, #tpu.memory_space<vmem_shared>> -> memref<640xf32, #tpu.memory_space<vmem_shared>>
        %dma_wait3A_80 = tpu.memref_slice %arg7[%mul3A_0] : memref<10240xf32, #tpu.memory_space<hbm>> -> memref<640xf32, #tpu.memory_space<hbm>>
        tpu.wait_dma2 semaphore(%run_scoped3A : memref<!tpu.dma_semaphore, #tpu.memory_space<semaphore_mem>>) src(%dma_wait3A_80 : memref<640xf32, #tpu.memory_space<hbm>>) dst(%dma_wait3A : memref<640xf32, #tpu.memory_space<vmem_shared>>)
        tpu.yield
      }) : () -> ()
    } else {
    }
    %mul3A_3 = arith.constant 20000 : i32
    %mul3A_4 = arith.muli %arg1, %mul3A_3 : i32
    %eq3A_5 = arith.constant 0 : i32
    %eq3A_6 = arith.cmpi eq, %arg0, %eq3A_5 : i32
    %convert_element_type3A_7 = arith.extui %eq3A_6 : i1 to i32
    %cond3A_8 = arith.constant 0 : i32
    %cond3A_9 = arith.cmpi ne, %convert_element_type3A_7, %cond3A_8 : i32
    scf.if %cond3A_9 {
      "tpu.region"() ({
        %run_scoped3A = tpu.sem_alloc : memref<!tpu.dma_semaphore, #tpu.memory_space<semaphore_mem>>
        %dma_start3A = tpu.memref_slice %arg3[%mul3A_4] : memref<320000xi32, #tpu.memory_space<hbm>> -> memref<20000xi32, #tpu.memory_space<hbm>>
        %dma_start3A_79 = tpu.memref_slice %arg3[%mul3A_4] : memref<320000xi32, #tpu.memory_space<hbm>> -> memref<20000xi32, #tpu.memory_space<hbm>>
        tpu.enqueue_dma source(%dma_start3A_79 : memref<20000xi32, #tpu.memory_space<hbm>>) target(%arg10 : memref<20000xi32, #tpu.memory_space<vmem>>) target_semaphore(%run_scoped3A : memref<!tpu.dma_semaphore, #tpu.memory_space<semaphore_mem>>)
        %dma_wait3A = tpu.memref_slice %arg3[%mul3A_4] : memref<320000xi32, #tpu.memory_space<hbm>> -> memref<20000xi32, #tpu.memory_space<hbm>>
        %dma_wait3A_80 = tpu.memref_slice %arg3[%mul3A_4] : memref<320000xi32, #tpu.memory_space<hbm>> -> memref<20000xi32, #tpu.memory_space<hbm>>
        tpu.wait_dma2 semaphore(%run_scoped3A : memref<!tpu.dma_semaphore, #tpu.memory_space<semaphore_mem>>) src(%dma_wait3A_80 : memref<20000xi32, #tpu.memory_space<hbm>>) dst(%arg10 : memref<20000xi32, #tpu.memory_space<vmem>>)
        tpu.yield
      }) : () -> ()
    } else {
    }
    %eq3A_10 = arith.constant 1 : i32
    %eq3A_11 = arith.cmpi eq, %arg0, %eq3A_10 : i32
    %convert_element_type3A_12 = arith.extui %eq3A_11 : i1 to i32
    %cond3A_13 = arith.constant 0 : i32
    %cond3A_14 = arith.cmpi ne, %convert_element_type3A_12, %cond3A_13 : i32
    scf.if %cond3A_14 {
      "tpu.region"() ({
        %run_scoped3A = tpu.sem_alloc : memref<!tpu.dma_semaphore, #tpu.memory_space<semaphore_mem>>
        %dma_start3A = tpu.memref_slice %arg4[%mul3A_4] : memref<320000xi32, #tpu.memory_space<hbm>> -> memref<20000xi32, #tpu.memory_space<hbm>>
        %dma_start3A_79 = tpu.memref_slice %arg4[%mul3A_4] : memref<320000xi32, #tpu.memory_space<hbm>> -> memref<20000xi32, #tpu.memory_space<hbm>>
        tpu.enqueue_dma source(%dma_start3A_79 : memref<20000xi32, #tpu.memory_space<hbm>>) target(%arg10 : memref<20000xi32, #tpu.memory_space<vmem>>) target_semaphore(%run_scoped3A : memref<!tpu.dma_semaphore, #tpu.memory_space<semaphore_mem>>)
        %dma_wait3A = tpu.memref_slice %arg4[%mul3A_4] : memref<320000xi32, #tpu.memory_space<hbm>> -> memref<20000xi32, #tpu.memory_space<hbm>>
        %dma_wait3A_80 = tpu.memref_slice %arg4[%mul3A_4] : memref<320000xi32, #tpu.memory_space<hbm>> -> memref<20000xi32, #tpu.memory_space<hbm>>
        tpu.wait_dma2 semaphore(%run_scoped3A : memref<!tpu.dma_semaphore, #tpu.memory_space<semaphore_mem>>) src(%dma_wait3A_80 : memref<20000xi32, #tpu.memory_space<hbm>>) dst(%arg10 : memref<20000xi32, #tpu.memory_space<vmem>>)
        tpu.yield
      }) : () -> ()
    } else {
    }
    "tpu.region"() ({
      %run_scoped3A = tpu.sem_alloc : memref<!tpu.dma_semaphore, #tpu.memory_space<semaphore_mem>>
      %dma_start3A = tpu.memref_slice %arg5[%mul3A_4] : memref<320000xi32, #tpu.memory_space<hbm>> -> memref<20000xi32, #tpu.memory_space<hbm>>
      %dma_start3A_79 = tpu.memref_slice %arg5[%mul3A_4] : memref<320000xi32, #tpu.memory_space<hbm>> -> memref<20000xi32, #tpu.memory_space<hbm>>
      tpu.enqueue_dma source(%dma_start3A_79 : memref<20000xi32, #tpu.memory_space<hbm>>) target(%arg11 : memref<20000xi32, #tpu.memory_space<vmem>>) target_semaphore(%run_scoped3A : memref<!tpu.dma_semaphore, #tpu.memory_space<semaphore_mem>>)
      %dma_wait3A = tpu.memref_slice %arg5[%mul3A_4] : memref<320000xi32, #tpu.memory_space<hbm>> -> memref<20000xi32, #tpu.memory_space<hbm>>
      %dma_wait3A_80 = tpu.memref_slice %arg5[%mul3A_4] : memref<320000xi32, #tpu.memory_space<hbm>> -> memref<20000xi32, #tpu.memory_space<hbm>>
      tpu.wait_dma2 semaphore(%run_scoped3A : memref<!tpu.dma_semaphore, #tpu.memory_space<semaphore_mem>>) src(%dma_wait3A_80 : memref<20000xi32, #tpu.memory_space<hbm>>) dst(%arg11 : memref<20000xi32, #tpu.memory_space<vmem>>)
      tpu.yield
    }) : () -> ()
    %broadcast_in_dim3A = arith.constant 1.000000e+00 : f32
    %broadcast_in_dim3A_15 = vector.broadcast %broadcast_in_dim3A : f32 to vector<16xf32>
    %swap3A = arith.constant 0 : index
    %swap3A_16 = tpu.vector_load %arg13[%swap3A] {strides = array<i32>} : memref<128xf32, #tpu.memory_space<vmem>>, vector<16xf32>,
    %swap3A_17 = vector.shape_cast %swap3A_16 : vector<16xf32> to vector<16xf32>
    %swap3A_18 = vector.shape_cast %broadcast_in_dim3A_15 : vector<16xf32> to vector<16xf32>
    tpu.vector_store %arg13[%swap3A], %swap3A_18 {strides = array<i32>} : memref<128xf32, #tpu.memory_space<vmem>>, vector<16xf32>,
    %broadcast_in_dim3A_19 = arith.constant 1.000000e+00 : f32
    %broadcast_in_dim3A_20 = vector.broadcast %broadcast_in_dim3A_19 : f32 to vector<16xf32>
    %swap3A_21 = arith.constant 16 : index
    %swap3A_22 = tpu.vector_load %arg13[%swap3A_21] {strides = array<i32>} : memref<128xf32, #tpu.memory_space<vmem>>, vector<16xf32>,
    %swap3A_23 = vector.shape_cast %swap3A_22 : vector<16xf32> to vector<16xf32>
    %swap3A_24 = vector.shape_cast %broadcast_in_dim3A_20 : vector<16xf32> to vector<16xf32>
    tpu.vector_store %arg13[%swap3A_21], %swap3A_24 {strides = array<i32>} : memref<128xf32, #tpu.memory_space<vmem>>, vector<16xf32>,
    %broadcast_in_dim3A_25 = arith.constant 1.000000e+00 : f32
    %broadcast_in_dim3A_26 = vector.broadcast %broadcast_in_dim3A_25 : f32 to vector<16xf32>
    %swap3A_27 = arith.constant 32 : index
    %swap3A_28 = tpu.vector_load %arg13[%swap3A_27] {strides = array<i32>} : memref<128xf32, #tpu.memory_space<vmem>>, vector<16xf32>,
    %swap3A_29 = vector.shape_cast %swap3A_28 : vector<16xf32> to vector<16xf32>
    %swap3A_30 = vector.shape_cast %broadcast_in_dim3A_26 : vector<16xf32> to vector<16xf32>
    tpu.vector_store %arg13[%swap3A_27], %swap3A_30 {strides = array<i32>} : memref<128xf32, #tpu.memory_space<vmem>>, vector<16xf32>,
    %broadcast_in_dim3A_31 = arith.constant 1.000000e+00 : f32
    %broadcast_in_dim3A_32 = vector.broadcast %broadcast_in_dim3A_31 : f32 to vector<16xf32>
    %swap3A_33 = arith.constant 48 : index
    %swap3A_34 = tpu.vector_load %arg13[%swap3A_33] {strides = array<i32>} : memref<128xf32, #tpu.memory_space<vmem>>, vector<16xf32>,
    %swap3A_35 = vector.shape_cast %swap3A_34 : vector<16xf32> to vector<16xf32>
    %swap3A_36 = vector.shape_cast %broadcast_in_dim3A_32 : vector<16xf32> to vector<16xf32>
    tpu.vector_store %arg13[%swap3A_33], %swap3A_36 {strides = array<i32>} : memref<128xf32, #tpu.memory_space<vmem>>, vector<16xf32>,
    %broadcast_in_dim3A_37 = arith.constant 1.000000e+00 : f32
    %broadcast_in_dim3A_38 = vector.broadcast %broadcast_in_dim3A_37 : f32 to vector<16xf32>
    %swap3A_39 = arith.constant 64 : index
    %swap3A_40 = tpu.vector_load %arg13[%swap3A_39] {strides = array<i32>} : memref<128xf32, #tpu.memory_space<vmem>>, vector<16xf32>,
    %swap3A_41 = vector.shape_cast %swap3A_40 : vector<16xf32> to vector<16xf32>
    %swap3A_42 = vector.shape_cast %broadcast_in_dim3A_38 : vector<16xf32> to vector<16xf32>
    tpu.vector_store %arg13[%swap3A_39], %swap3A_42 {strides = array<i32>} : memref<128xf32, #tpu.memory_space<vmem>>, vector<16xf32>,
    %broadcast_in_dim3A_43 = arith.constant 1.000000e+00 : f32
    %broadcast_in_dim3A_44 = vector.broadcast %broadcast_in_dim3A_43 : f32 to vector<16xf32>
    %swap3A_45 = arith.constant 80 : index
    %swap3A_46 = tpu.vector_load %arg13[%swap3A_45] {strides = array<i32>} : memref<128xf32, #tpu.memory_space<vmem>>, vector<16xf32>,
    %swap3A_47 = vector.shape_cast %swap3A_46 : vector<16xf32> to vector<16xf32>
    %swap3A_48 = vector.shape_cast %broadcast_in_dim3A_44 : vector<16xf32> to vector<16xf32>
    tpu.vector_store %arg13[%swap3A_45], %swap3A_48 {strides = array<i32>} : memref<128xf32, #tpu.memory_space<vmem>>, vector<16xf32>,
    %broadcast_in_dim3A_49 = arith.constant 1.000000e+00 : f32
    %broadcast_in_dim3A_50 = vector.broadcast %broadcast_in_dim3A_49 : f32 to vector<16xf32>
    %swap3A_51 = arith.constant 96 : index
    %swap3A_52 = tpu.vector_load %arg13[%swap3A_51] {strides = array<i32>} : memref<128xf32, #tpu.memory_space<vmem>>, vector<16xf32>,
    %swap3A_53 = vector.shape_cast %swap3A_52 : vector<16xf32> to vector<16xf32>
    %swap3A_54 = vector.shape_cast %broadcast_in_dim3A_50 : vector<16xf32> to vector<16xf32>
    tpu.vector_store %arg13[%swap3A_51], %swap3A_54 {strides = array<i32>} : memref<128xf32, #tpu.memory_space<vmem>>, vector<16xf32>,
    %broadcast_in_dim3A_55 = arith.constant 1.000000e+00 : f32
    %broadcast_in_dim3A_56 = vector.broadcast %broadcast_in_dim3A_55 : f32 to vector<16xf32>
    %swap3A_57 = arith.constant 112 : index
    %swap3A_58 = tpu.vector_load %arg13[%swap3A_57] {strides = array<i32>} : memref<128xf32, #tpu.memory_space<vmem>>, vector<16xf32>,
    %swap3A_59 = vector.shape_cast %swap3A_58 : vector<16xf32> to vector<16xf32>
    %swap3A_60 = vector.shape_cast %broadcast_in_dim3A_56 : vector<16xf32> to vector<16xf32>
    tpu.vector_store %arg13[%swap3A_57], %swap3A_60 {strides = array<i32>} : memref<128xf32, #tpu.memory_space<vmem>>, vector<16xf32>,
    %barrier3A = arith.constant 0 : index
    tpu.barrier barrier_id(%barrier3A)
    %eq3A_61 = arith.constant 0 : i32
    %eq3A_62 = arith.cmpi eq, %arg0, %eq3A_61 : i32
    %convert_element_type3A_63 = arith.extui %eq3A_62 : i1 to i32
    %cond3A_64 = arith.constant 0 : i32
    %cond3A_65 = arith.cmpi ne, %convert_element_type3A_63, %cond3A_64 : i32
    scf.if %cond3A_65 {
      %dma_start3A = arith.constant 0 : i32
      %dma_start3A_79 = arith.constant 0 : i32
      %dma_start3A_80 = arith.constant 0 : i32
      %dma_start3A_81 = tpu.memref_slice %arg12[%dma_start3A, %dma_start3A_79, %dma_start3A_80] : memref<4x128x64xf32, #tpu.memory_space<vmem>> -> memref<1x128x64xf32, #tpu.memory_space<vmem>>
      %dma_start3A_82 = tpu.memref_squeeze %dma_start3A_81 : memref<1x128x64xf32, #tpu.memory_space<vmem>> -> memref<128x64xf32, #tpu.memory_space<vmem>>
      %dma_start3A_83 = arith.constant 0 : i32
      %dma_start3A_84 = tpu.memref_slice %arg10[%dma_start3A_83] : memref<20000xi32, #tpu.memory_space<vmem>> -> memref<128xi32, #tpu.memory_space<vmem>>
      %dma_start3A_85 = arith.constant 0 : i32
      %dma_start3A_86 = arith.constant 0 : i32
      %dma_start3A_87 = tpu.memref_slice %arg2[%dma_start3A_85, %dma_start3A_86] : memref<160000x64xf32, #tpu.memory_space<hbm>> -> memref<160000x64xf32, #tpu.memory_space<hbm>>
      tpu.enqueue_indirect_dma source(%dma_start3A_87 : memref<160000x64xf32, #tpu.memory_space<hbm>>) target(%dma_start3A_82 : memref<128x64xf32, #tpu.memory_space<vmem>>) offsets(%dma_start3A_84 : memref<128xi32, #tpu.memory_space<vmem>>) semaphore(%arg16 : memref<!tpu.dma_semaphore, #tpu.memory_space<semaphore_mem>>)
      %dma_start3A_88 = arith.constant 1 : i32
      %dma_start3A_89 = arith.constant 0 : i32
      %dma_start3A_90 = arith.constant 0 : i32
      %dma_start3A_91 = tpu.memref_slice %arg12[%dma_start3A_88, %dma_start3A_89, %dma_start3A_90] : memref<4x128x64xf32, #tpu.memory_space<vmem>> -> memref<1x128x64xf32, #tpu.memory_space<vmem>>
      %dma_start3A_92 = tpu.memref_squeeze %dma_start3A_91 : memref<1x128x64xf32, #tpu.memory_space<vmem>> -> memref<128x64xf32, #tpu.memory_space<vmem>>
      %dma_start3A_93 = arith.constant 128 : i32
      %dma_start3A_94 = tpu.memref_slice %arg10[%dma_start3A_93] : memref<20000xi32, #tpu.memory_space<vmem>> -> memref<128xi32, #tpu.memory_space<vmem>>
      %dma_start3A_95 = arith.constant 0 : i32
      %dma_start3A_96 = arith.constant 0 : i32
      %dma_start3A_97 = tpu.memref_slice %arg2[%dma_start3A_95, %dma_start3A_96] : memref<160000x64xf32, #tpu.memory_space<hbm>> -> memref<160000x64xf32, #tpu.memory_space<hbm>>
      tpu.enqueue_indirect_dma source(%dma_start3A_97 : memref<160000x64xf32, #tpu.memory_space<hbm>>) target(%dma_start3A_92 : memref<128x64xf32, #tpu.memory_space<vmem>>) offsets(%dma_start3A_94 : memref<128xi32, #tpu.memory_space<vmem>>) semaphore(%arg16 : memref<!tpu.dma_semaphore, #tpu.memory_space<semaphore_mem>>)
      %scan3A = arith.constant 0 : i32
      %scan3A_98 = arith.constant 0 : i32
      %scan3A_99 = arith.constant 156 : i32
      %scan3A_100 = arith.addi %scan3A_98, %scan3A_99 : i32
      %scan3A_101 = arith.constant 1 : i32
      scf.for %scan3A_142 = %scan3A_98 to %scan3A_100 step %scan3A_101  : i32 {
        %and3A = arith.constant 3 : i32
        %and3A_143 = arith.andi %scan3A_142, %and3A : i32
        %mul3A_144 = arith.constant 128 : i32
        %mul3A_145 = arith.muli %scan3A_142, %mul3A_144 : i32
        %dma_wait3A_146 = arith.constant 0 : i32
        %dma_wait3A_147 = arith.constant 0 : i32
        %dma_wait3A_148 = tpu.memref_slice %arg12[%and3A_143, %dma_wait3A_146, %dma_wait3A_147] : memref<4x128x64xf32, #tpu.memory_space<vmem>> -> memref<1x128x64xf32, #tpu.memory_space<vmem>>
        %dma_wait3A_149 = tpu.memref_squeeze %dma_wait3A_148 : memref<1x128x64xf32, #tpu.memory_space<vmem>> -> memref<128x64xf32, #tpu.memory_space<vmem>>
        %dma_wait3A_150 = tpu.memref_slice %arg10[%mul3A_145] : memref<20000xi32, #tpu.memory_space<vmem>> -> memref<128xi32, #tpu.memory_space<vmem>>
        %dma_wait3A_151 = arith.constant 0 : i32
        %dma_wait3A_152 = arith.constant 0 : i32
        %dma_wait3A_153 = tpu.memref_slice %arg2[%dma_wait3A_151, %dma_wait3A_152] : memref<160000x64xf32, #tpu.memory_space<hbm>> -> memref<160000x64xf32, #tpu.memory_space<hbm>>
        tpu.wait_indirect_dma semaphore(%arg16 : memref<!tpu.dma_semaphore, #tpu.memory_space<semaphore_mem>>) src(%dma_wait3A_153 : memref<160000x64xf32, #tpu.memory_space<hbm>>) dst(%dma_wait3A_149 : memref<128x64xf32, #tpu.memory_space<vmem>>)
        %mul3A_154 = arith.constant 128 : i32
        %mul3A_155 = arith.muli %scan3A_142, %mul3A_154 : i32
        %dma_start3A_156 = arith.constant 0 : i32
        %dma_start3A_157 = arith.constant 0 : i32
        %dma_start3A_158 = tpu.memref_slice %arg12[%and3A_143, %dma_start3A_156, %dma_start3A_157] : memref<4x128x64xf32, #tpu.memory_space<vmem>> -> memref<1x128x64xf32, #tpu.memory_space<vmem>>
        %dma_start3A_159 = tpu.memref_squeeze %dma_start3A_158 : memref<1x128x64xf32, #tpu.memory_space<vmem>> -> memref<128x64xf32, #tpu.memory_space<vmem>>
        %dma_start3A_160 = tpu.memref_slice %arg11[%mul3A_155] : memref<20000xi32, #tpu.memory_space<vmem>> -> memref<128xi32, #tpu.memory_space<vmem>>
        %dma_start3A_161 = arith.constant 0 : i32
        %dma_start3A_162 = arith.constant 0 : i32
        %dma_start3A_163 = tpu.memref_slice %arg14[%dma_start3A_161, %dma_start3A_162] : memref<10240x64xf32, #tpu.memory_space<vmem_shared>> -> memref<10240x64xf32, #tpu.memory_space<vmem_shared>>
        tpu.enqueue_indirect_dma source(%dma_start3A_159 : memref<128x64xf32, #tpu.memory_space<vmem>>) target(%dma_start3A_163 : memref<10240x64xf32, #tpu.memory_space<vmem_shared>>) offsets(%dma_start3A_160 : memref<128xi32, #tpu.memory_space<vmem>>) semaphore(%arg17 : memref<!tpu.dma_semaphore, #tpu.memory_space<semaphore_mem>>) {add = true}
        %ge3A = arith.constant 2 : i32
        %ge3A_164 = arith.cmpi sge, %scan3A_142, %ge3A : i32
        %convert_element_type3A_165 = arith.extui %ge3A_164 : i1 to i32
        %cond3A_166 = arith.constant 0 : i32
        %cond3A_167 = arith.cmpi ne, %convert_element_type3A_165, %cond3A_166 : i32
        scf.if %cond3A_167 {
          %sub3A = arith.constant 2 : i32
          %sub3A_173 = arith.subi %scan3A_142, %sub3A : i32
          %sub3A_174 = arith.constant 2 : i32
          %sub3A_175 = arith.subi %scan3A_142, %sub3A_174 : i32
          %and3A_176 = arith.constant 3 : i32
          %and3A_177 = arith.andi %sub3A_175, %and3A_176 : i32
          %mul3A_178 = arith.constant 128 : i32
          %mul3A_179 = arith.muli %sub3A_173, %mul3A_178 : i32
          %dma_wait3A_180 = arith.constant 0 : i32
          %dma_wait3A_181 = arith.constant 0 : i32
          %dma_wait3A_182 = tpu.memref_slice %arg12[%and3A_177, %dma_wait3A_180, %dma_wait3A_181] : memref<4x128x64xf32, #tpu.memory_space<vmem>> -> memref<1x128x64xf32, #tpu.memory_space<vmem>>
          %dma_wait3A_183 = tpu.memref_squeeze %dma_wait3A_182 : memref<1x128x64xf32, #tpu.memory_space<vmem>> -> memref<128x64xf32, #tpu.memory_space<vmem>>
          %dma_wait3A_184 = tpu.memref_slice %arg11[%mul3A_179] : memref<20000xi32, #tpu.memory_space<vmem>> -> memref<128xi32, #tpu.memory_space<vmem>>
          %dma_wait3A_185 = arith.constant 0 : i32
          %dma_wait3A_186 = arith.constant 0 : i32
          %dma_wait3A_187 = tpu.memref_slice %arg14[%dma_wait3A_185, %dma_wait3A_186] : memref<10240x64xf32, #tpu.memory_space<vmem_shared>> -> memref<10240x64xf32, #tpu.memory_space<vmem_shared>>
          tpu.wait_indirect_dma semaphore(%arg17 : memref<!tpu.dma_semaphore, #tpu.memory_space<semaphore_mem>>) src(%dma_wait3A_183 : memref<128x64xf32, #tpu.memory_space<vmem>>) dst(%dma_wait3A_187 : memref<10240x64xf32, #tpu.memory_space<vmem_shared>>)
        } else {
        }
        %add3A = arith.constant 2 : i32
        %add3A_168 = arith.addi %scan3A_142, %add3A : i32
        %lt3A = arith.constant 156 : i32
        %lt3A_169 = arith.cmpi slt, %add3A_168, %lt3A : i32
        %convert_element_type3A_170 = arith.extui %lt3A_169 : i1 to i32
        %cond3A_171 = arith.constant 0 : i32
        %cond3A_172 = arith.cmpi ne, %convert_element_type3A_170, %cond3A_171 : i32
        scf.if %cond3A_172 {
          %add3A_173 = arith.constant 2 : i32
          %add3A_174 = arith.addi %scan3A_142, %add3A_173 : i32
          %add3A_175 = arith.constant 2 : i32
          %add3A_176 = arith.addi %scan3A_142, %add3A_175 : i32
          %and3A_177 = arith.constant 3 : i32
          %and3A_178 = arith.andi %add3A_176, %and3A_177 : i32
          %mul3A_179 = arith.constant 128 : i32
          %mul3A_180 = arith.muli %add3A_174, %mul3A_179 : i32
          %dma_start3A_181 = arith.constant 0 : i32
          %dma_start3A_182 = arith.constant 0 : i32
          %dma_start3A_183 = tpu.memref_slice %arg12[%and3A_178, %dma_start3A_181, %dma_start3A_182] : memref<4x128x64xf32, #tpu.memory_space<vmem>> -> memref<1x128x64xf32, #tpu.memory_space<vmem>>
          %dma_start3A_184 = tpu.memref_squeeze %dma_start3A_183 : memref<1x128x64xf32, #tpu.memory_space<vmem>> -> memref<128x64xf32, #tpu.memory_space<vmem>>
          %dma_start3A_185 = tpu.memref_slice %arg10[%mul3A_180] : memref<20000xi32, #tpu.memory_space<vmem>> -> memref<128xi32, #tpu.memory_space<vmem>>
          %dma_start3A_186 = arith.constant 0 : i32
          %dma_start3A_187 = arith.constant 0 : i32
          %dma_start3A_188 = tpu.memref_slice %arg2[%dma_start3A_186, %dma_start3A_187] : memref<160000x64xf32, #tpu.memory_space<hbm>> -> memref<160000x64xf32, #tpu.memory_space<hbm>>
          tpu.enqueue_indirect_dma source(%dma_start3A_188 : memref<160000x64xf32, #tpu.memory_space<hbm>>) target(%dma_start3A_184 : memref<128x64xf32, #tpu.memory_space<vmem>>) offsets(%dma_start3A_185 : memref<128xi32, #tpu.memory_space<vmem>>) semaphore(%arg16 : memref<!tpu.dma_semaphore, #tpu.memory_space<semaphore_mem>>)
        } else {
        }
      }
      %scan3A_102 = arith.constant 156 : i32
      %dma_wait3A = arith.constant 2 : i32
      %dma_wait3A_103 = arith.constant 0 : i32
      %dma_wait3A_104 = arith.constant 0 : i32
      %dma_wait3A_105 = tpu.memref_slice %arg12[%dma_wait3A, %dma_wait3A_103, %dma_wait3A_104] : memref<4x128x64xf32, #tpu.memory_space<vmem>> -> memref<1x128x64xf32, #tpu.memory_space<vmem>>
      %dma_wait3A_106 = tpu.memref_squeeze %dma_wait3A_105 : memref<1x128x64xf32, #tpu.memory_space<vmem>> -> memref<128x64xf32, #tpu.memory_space<vmem>>
      %dma_wait3A_107 = arith.constant 19712 : i32
      %dma_wait3A_108 = tpu.memref_slice %arg11[%dma_wait3A_107] : memref<20000xi32, #tpu.memory_space<vmem>> -> memref<128xi32, #tpu.memory_space<vmem>>
      %dma_wait3A_109 = arith.constant 0 : i32
      %dma_wait3A_110 = arith.constant 0 : i32
      %dma_wait3A_111 = tpu.memref_slice %arg14[%dma_wait3A_109, %dma_wait3A_110] : memref<10240x64xf32, #tpu.memory_space<vmem_shared>> -> memref<10240x64xf32, #tpu.memory_space<vmem_shared>>
      tpu.wait_indirect_dma semaphore(%arg17 : memref<!tpu.dma_semaphore, #tpu.memory_space<semaphore_mem>>) src(%dma_wait3A_106 : memref<128x64xf32, #tpu.memory_space<vmem>>) dst(%dma_wait3A_111 : memref<10240x64xf32, #tpu.memory_space<vmem_shared>>)
      %dma_wait3A_112 = arith.constant 3 : i32
      %dma_wait3A_113 = arith.constant 0 : i32
      %dma_wait3A_114 = arith.constant 0 : i32
      %dma_wait3A_115 = tpu.memref_slice %arg12[%dma_wait3A_112, %dma_wait3A_113, %dma_wait3A_114] : memref<4x128x64xf32, #tpu.memory_space<vmem>> -> memref<1x128x64xf32, #tpu.memory_space<vmem>>
      %dma_wait3A_116 = tpu.memref_squeeze %dma_wait3A_115 : memref<1x128x64xf32, #tpu.memory_space<vmem>> -> memref<128x64xf32, #tpu.memory_space<vmem>>
      %dma_wait3A_117 = arith.constant 19840 : i32
      %dma_wait3A_118 = tpu.memref_slice %arg11[%dma_wait3A_117] : memref<20000xi32, #tpu.memory_space<vmem>> -> memref<128xi32, #tpu.memory_space<vmem>>
      %dma_wait3A_119 = arith.constant 0 : i32
      %dma_wait3A_120 = arith.constant 0 : i32
      %dma_wait3A_121 = tpu.memref_slice %arg14[%dma_wait3A_119, %dma_wait3A_120] : memref<10240x64xf32, #tpu.memory_space<vmem_shared>> -> memref<10240x64xf32, #tpu.memory_space<vmem_shared>>
      tpu.wait_indirect_dma semaphore(%arg17 : memref<!tpu.dma_semaphore, #tpu.memory_space<semaphore_mem>>) src(%dma_wait3A_116 : memref<128x64xf32, #tpu.memory_space<vmem>>) dst(%dma_wait3A_121 : memref<10240x64xf32, #tpu.memory_space<vmem_shared>>)
      %dma_start3A_122 = arith.constant 0 : i32
      %dma_start3A_123 = arith.constant 0 : i32
      %dma_start3A_124 = arith.constant 0 : i32
      %dma_start3A_125 = tpu.memref_slice %arg12[%dma_start3A_122, %dma_start3A_123, %dma_start3A_124] : memref<4x128x64xf32, #tpu.memory_space<vmem>> -> memref<1x32x64xf32, #tpu.memory_space<vmem>>
      %dma_start3A_126 = tpu.memref_squeeze %dma_start3A_125 : memref<1x32x64xf32, #tpu.memory_space<vmem>> -> memref<32x64xf32, #tpu.memory_space<vmem>>
      %dma_start3A_127 = arith.constant 19968 : i32
      %dma_start3A_128 = tpu.memref_slice %arg10[%dma_start3A_127] : memref<20000xi32, #tpu.memory_space<vmem>> -> memref<32xi32, #tpu.memory_space<vmem>>
      %dma_start3A_129 = arith.constant 0 : i32
      %dma_start3A_130 = arith.constant 0 : i32
      %dma_start3A_131 = tpu.memref_slice %arg2[%dma_start3A_129, %dma_start3A_130] : memref<160000x64xf32, #tpu.memory_space<hbm>> -> memref<160000x64xf32, #tpu.memory_space<hbm>>
      tpu.enqueue_indirect_dma source(%dma_start3A_131 : memref<160000x64xf32, #tpu.memory_space<hbm>>) target(%dma_start3A_126 : memref<32x64xf32, #tpu.memory_space<vmem>>) offsets(%dma_start3A_128 : memref<32xi32, #tpu.memory_space<vmem>>) semaphore(%arg16 : memref<!tpu.dma_semaphore, #tpu.memory_space<semaphore_mem>>)
      %dma_wait3A_132 = arith.constant 0 : i32
      %dma_wait3A_133 = arith.constant 0 : i32
      %dma_wait3A_134 = arith.constant 0 : i32
      %dma_wait3A_135 = tpu.memref_slice %arg12[%dma_wait3A_132, %dma_wait3A_133, %dma_wait3A_134] : memref<4x128x64xf32, #tpu.memory_space<vmem>> -> memref<1x32x64xf32, #tpu.memory_space<vmem>>
      %dma_wait3A_136 = tpu.memref_squeeze %dma_wait3A_135 : memref<1x32x64xf32, #tpu.memory_space<vmem>> -> memref<32x64xf32, #tpu.memory_space<vmem>>
      %dma_wait3A_137 = arith.constant 19968 : i32
      %dma_wait3A_138 = tpu.memref_slice %arg10[%dma_wait3A_137] : memref<20000xi32, #tpu.memory_space<vmem>> -> memref<32xi32, #tpu.memory_space<vmem>>
      %dma_wait3A_139 = arith.constant 0 : i32
      %dma_wait3A_140 = arith.constant 0 : i32
      %dma_wait3A_141 = tpu.memref_slice %arg2[%dma_wait3A_139, %dma_wait3A_140] : memref<160000x64xf32, #tpu.memory_space<hbm>> -> memref<160000x64xf32, #tpu.memory_space<hbm>>
      tpu.wait_indirect_dma semaphore(%arg16 : memref<!tpu.dma_semaphore, #tpu.memory_space<semaphore_mem>>) src(%dma_wait3A_141 : memref<160000x64xf32, #tpu.memory_space<hbm>>) dst(%dma_wait3A_136 : memref<32x64xf32, #tpu.memory_space<vmem>>)
      %run_scoped3A = arith.constant 0 : i32
      "tpu.region"() ({
        %run_scoped3A_142 = tpu.sem_alloc : memref<!tpu.dma_semaphore, #tpu.memory_space<semaphore_mem>>
        %dma_start3A_143 = arith.constant 0 : i32
        %dma_start3A_144 = arith.constant 0 : i32
        %dma_start3A_145 = tpu.memref_slice %arg12[%run_scoped3A, %dma_start3A_143, %dma_start3A_144] : memref<4x128x64xf32, #tpu.memory_space<vmem>> -> memref<1x32x64xf32, #tpu.memory_space<vmem>>
        %dma_start3A_146 = tpu.memref_squeeze %dma_start3A_145 : memref<1x32x64xf32, #tpu.memory_space<vmem>> -> memref<32x64xf32, #tpu.memory_space<vmem>>
        %dma_start3A_147 = arith.constant 19968 : i32
        %dma_start3A_148 = tpu.memref_slice %arg11[%dma_start3A_147] : memref<20000xi32, #tpu.memory_space<vmem>> -> memref<32xi32, #tpu.memory_space<vmem>>
        %dma_start3A_149 = arith.constant 0 : i32
        %dma_start3A_150 = arith.constant 0 : i32
        %dma_start3A_151 = tpu.memref_slice %arg14[%dma_start3A_149, %dma_start3A_150] : memref<10240x64xf32, #tpu.memory_space<vmem_shared>> -> memref<10240x64xf32, #tpu.memory_space<vmem_shared>>
        tpu.enqueue_indirect_dma source(%dma_start3A_146 : memref<32x64xf32, #tpu.memory_space<vmem>>) target(%dma_start3A_151 : memref<10240x64xf32, #tpu.memory_space<vmem_shared>>) offsets(%dma_start3A_148 : memref<32xi32, #tpu.memory_space<vmem>>) semaphore(%run_scoped3A_142 : memref<!tpu.dma_semaphore, #tpu.memory_space<semaphore_mem>>) {add = true}
        %dma_wait3A_152 = arith.constant 0 : i32
        %dma_wait3A_153 = arith.constant 0 : i32
        %dma_wait3A_154 = tpu.memref_slice %arg12[%run_scoped3A, %dma_wait3A_152, %dma_wait3A_153] : memref<4x128x64xf32, #tpu.memory_space<vmem>> -> memref<1x32x64xf32, #tpu.memory_space<vmem>>
        %dma_wait3A_155 = tpu.memref_squeeze %dma_wait3A_154 : memref<1x32x64xf32, #tpu.memory_space<vmem>> -> memref<32x64xf32, #tpu.memory_space<vmem>>
        %dma_wait3A_156 = arith.constant 19968 : i32
        %dma_wait3A_157 = tpu.memref_slice %arg11[%dma_wait3A_156] : memref<20000xi32, #tpu.memory_space<vmem>> -> memref<32xi32, #tpu.memory_space<vmem>>
        %dma_wait3A_158 = arith.constant 0 : i32
        %dma_wait3A_159 = arith.constant 0 : i32
        %dma_wait3A_160 = tpu.memref_slice %arg14[%dma_wait3A_158, %dma_wait3A_159] : memref<10240x64xf32, #tpu.memory_space<vmem_shared>> -> memref<10240x64xf32, #tpu.memory_space<vmem_shared>>
        tpu.wait_indirect_dma semaphore(%run_scoped3A_142 : memref<!tpu.dma_semaphore, #tpu.memory_space<semaphore_mem>>) src(%dma_wait3A_155 : memref<32x64xf32, #tpu.memory_space<vmem>>) dst(%dma_wait3A_160 : memref<10240x64xf32, #tpu.memory_space<vmem_shared>>)
        tpu.yield
      }) : () -> ()
    } else {
    }
    %eq3A_66 = arith.constant 1 : i32
    %eq3A_67 = arith.cmpi eq, %arg0, %eq3A_66 : i32
    %convert_element_type3A_68 = arith.extui %eq3A_67 : i1 to i32
    %cond3A_69 = arith.constant 0 : i32
    %cond3A_70 = arith.cmpi ne, %convert_element_type3A_68, %cond3A_69 : i32
    scf.if %cond3A_70 {
      %dma_start3A = arith.constant 0 : i32
      %dma_start3A_79 = arith.constant 0 : i32
      %dma_start3A_80 = arith.constant 0 : i32
      %dma_start3A_81 = tpu.memref_slice %arg12[%dma_start3A, %dma_start3A_79, %dma_start3A_80] : memref<4x128x64xf32, #tpu.memory_space<vmem>> -> memref<1x128x64xf32, #tpu.memory_space<vmem>>
      %dma_start3A_82 = tpu.memref_squeeze %dma_start3A_81 : memref<1x128x64xf32, #tpu.memory_space<vmem>> -> memref<128x64xf32, #tpu.memory_space<vmem>>
      %dma_start3A_83 = arith.constant 0 : i32
      %dma_start3A_84 = tpu.memref_slice %arg10[%dma_start3A_83] : memref<20000xi32, #tpu.memory_space<vmem>> -> memref<128xi32, #tpu.memory_space<vmem>>
      %dma_start3A_85 = arith.constant 0 : i32
      %dma_start3A_86 = arith.constant 0 : i32
      %dma_start3A_87 = tpu.memref_slice %arg2[%dma_start3A_85, %dma_start3A_86] : memref<160000x64xf32, #tpu.memory_space<hbm>> -> memref<160000x64xf32, #tpu.memory_space<hbm>>
      tpu.enqueue_indirect_dma source(%dma_start3A_87 : memref<160000x64xf32, #tpu.memory_space<hbm>>) target(%dma_start3A_82 : memref<128x64xf32, #tpu.memory_space<vmem>>) offsets(%dma_start3A_84 : memref<128xi32, #tpu.memory_space<vmem>>) semaphore(%arg16 : memref<!tpu.dma_semaphore, #tpu.memory_space<semaphore_mem>>)
      %dma_start3A_88 = arith.constant 1 : i32
      %dma_start3A_89 = arith.constant 0 : i32
      %dma_start3A_90 = arith.constant 0 : i32
      %dma_start3A_91 = tpu.memref_slice %arg12[%dma_start3A_88, %dma_start3A_89, %dma_start3A_90] : memref<4x128x64xf32, #tpu.memory_space<vmem>> -> memref<1x128x64xf32, #tpu.memory_space<vmem>>
      %dma_start3A_92 = tpu.memref_squeeze %dma_start3A_91 : memref<1x128x64xf32, #tpu.memory_space<vmem>> -> memref<128x64xf32, #tpu.memory_space<vmem>>
      %dma_start3A_93 = arith.constant 128 : i32
      %dma_start3A_94 = tpu.memref_slice %arg10[%dma_start3A_93] : memref<20000xi32, #tpu.memory_space<vmem>> -> memref<128xi32, #tpu.memory_space<vmem>>
      %dma_start3A_95 = arith.constant 0 : i32
      %dma_start3A_96 = arith.constant 0 : i32
      %dma_start3A_97 = tpu.memref_slice %arg2[%dma_start3A_95, %dma_start3A_96] : memref<160000x64xf32, #tpu.memory_space<hbm>> -> memref<160000x64xf32, #tpu.memory_space<hbm>>
      tpu.enqueue_indirect_dma source(%dma_start3A_97 : memref<160000x64xf32, #tpu.memory_space<hbm>>) target(%dma_start3A_92 : memref<128x64xf32, #tpu.memory_space<vmem>>) offsets(%dma_start3A_94 : memref<128xi32, #tpu.memory_space<vmem>>) semaphore(%arg16 : memref<!tpu.dma_semaphore, #tpu.memory_space<semaphore_mem>>)
      %scan3A = arith.constant 0 : i32
      %scan3A_98 = arith.constant 0 : i32
      %scan3A_99 = arith.constant 156 : i32
      %scan3A_100 = arith.addi %scan3A_98, %scan3A_99 : i32
      %scan3A_101 = arith.constant 1 : i32
      scf.for %scan3A_150 = %scan3A_98 to %scan3A_100 step %scan3A_101  : i32 {
        %and3A = arith.constant 3 : i32
        %and3A_151 = arith.andi %scan3A_150, %and3A : i32
        %mul3A_152 = arith.constant 128 : i32
        %mul3A_153 = arith.muli %scan3A_150, %mul3A_152 : i32
        %dma_wait3A_154 = arith.constant 0 : i32
        %dma_wait3A_155 = arith.constant 0 : i32
        %dma_wait3A_156 = tpu.memref_slice %arg12[%and3A_151, %dma_wait3A_154, %dma_wait3A_155] : memref<4x128x64xf32, #tpu.memory_space<vmem>> -> memref<1x128x64xf32, #tpu.memory_space<vmem>>
        %dma_wait3A_157 = tpu.memref_squeeze %dma_wait3A_156 : memref<1x128x64xf32, #tpu.memory_space<vmem>> -> memref<128x64xf32, #tpu.memory_space<vmem>>
        %dma_wait3A_158 = tpu.memref_slice %arg10[%mul3A_153] : memref<20000xi32, #tpu.memory_space<vmem>> -> memref<128xi32, #tpu.memory_space<vmem>>
        %dma_wait3A_159 = arith.constant 0 : i32
        %dma_wait3A_160 = arith.constant 0 : i32
        %dma_wait3A_161 = tpu.memref_slice %arg2[%dma_wait3A_159, %dma_wait3A_160] : memref<160000x64xf32, #tpu.memory_space<hbm>> -> memref<160000x64xf32, #tpu.memory_space<hbm>>
        tpu.wait_indirect_dma semaphore(%arg16 : memref<!tpu.dma_semaphore, #tpu.memory_space<semaphore_mem>>) src(%dma_wait3A_161 : memref<160000x64xf32, #tpu.memory_space<hbm>>) dst(%dma_wait3A_157 : memref<128x64xf32, #tpu.memory_space<vmem>>)
        %mul3A_162 = arith.constant 128 : i32
        %mul3A_163 = arith.muli %scan3A_150, %mul3A_162 : i32
        %dma_start3A_164 = arith.constant 0 : i32
        %dma_start3A_165 = arith.constant 0 : i32
        %dma_start3A_166 = tpu.memref_slice %arg12[%and3A_151, %dma_start3A_164, %dma_start3A_165] : memref<4x128x64xf32, #tpu.memory_space<vmem>> -> memref<1x128x64xf32, #tpu.memory_space<vmem>>
        %dma_start3A_167 = tpu.memref_squeeze %dma_start3A_166 : memref<1x128x64xf32, #tpu.memory_space<vmem>> -> memref<128x64xf32, #tpu.memory_space<vmem>>
        %dma_start3A_168 = tpu.memref_slice %arg11[%mul3A_163] : memref<20000xi32, #tpu.memory_space<vmem>> -> memref<128xi32, #tpu.memory_space<vmem>>
        %dma_start3A_169 = arith.constant 0 : i32
        %dma_start3A_170 = arith.constant 0 : i32
        %dma_start3A_171 = tpu.memref_slice %arg14[%dma_start3A_169, %dma_start3A_170] : memref<10240x64xf32, #tpu.memory_space<vmem_shared>> -> memref<10240x64xf32, #tpu.memory_space<vmem_shared>>
        tpu.enqueue_indirect_dma source(%dma_start3A_167 : memref<128x64xf32, #tpu.memory_space<vmem>>) target(%dma_start3A_171 : memref<10240x64xf32, #tpu.memory_space<vmem_shared>>) offsets(%dma_start3A_168 : memref<128xi32, #tpu.memory_space<vmem>>) semaphore(%arg17 : memref<!tpu.dma_semaphore, #tpu.memory_space<semaphore_mem>>) {add = true}
        %mul3A_172 = arith.constant 128 : i32
        %mul3A_173 = arith.muli %scan3A_150, %mul3A_172 : i32
        %dma_start3A_174 = tpu.memref_slice %arg11[%mul3A_173] : memref<20000xi32, #tpu.memory_space<vmem>> -> memref<128xi32, #tpu.memory_space<vmem>>
        %dma_start3A_175 = arith.constant 0 : i32
        %dma_start3A_176 = tpu.memref_slice %arg15[%dma_start3A_175] : memref<10240xf32, #tpu.memory_space<vmem_shared>> -> memref<10240xf32, #tpu.memory_space<vmem_shared>>
        tpu.enqueue_indirect_dma source(%arg13 : memref<128xf32, #tpu.memory_space<vmem>>) target(%dma_start3A_176 : memref<10240xf32, #tpu.memory_space<vmem_shared>>) offsets(%dma_start3A_174 : memref<128xi32, #tpu.memory_space<vmem>>) semaphore(%arg17 : memref<!tpu.dma_semaphore, #tpu.memory_space<semaphore_mem>>) {add = true}
        %ge3A = arith.constant 2 : i32
        %ge3A_177 = arith.cmpi sge, %scan3A_150, %ge3A : i32
        %convert_element_type3A_178 = arith.extui %ge3A_177 : i1 to i32
        %cond3A_179 = arith.constant 0 : i32
        %cond3A_180 = arith.cmpi ne, %convert_element_type3A_178, %cond3A_179 : i32
        scf.if %cond3A_180 {
          %sub3A = arith.constant 2 : i32
          %sub3A_186 = arith.subi %scan3A_150, %sub3A : i32
          %sub3A_187 = arith.constant 2 : i32
          %sub3A_188 = arith.subi %scan3A_150, %sub3A_187 : i32
          %and3A_189 = arith.constant 3 : i32
          %and3A_190 = arith.andi %sub3A_188, %and3A_189 : i32
          %mul3A_191 = arith.constant 128 : i32
          %mul3A_192 = arith.muli %sub3A_186, %mul3A_191 : i32
          %dma_wait3A_193 = arith.constant 0 : i32
          %dma_wait3A_194 = arith.constant 0 : i32
          %dma_wait3A_195 = tpu.memref_slice %arg12[%and3A_190, %dma_wait3A_193, %dma_wait3A_194] : memref<4x128x64xf32, #tpu.memory_space<vmem>> -> memref<1x128x64xf32, #tpu.memory_space<vmem>>
          %dma_wait3A_196 = tpu.memref_squeeze %dma_wait3A_195 : memref<1x128x64xf32, #tpu.memory_space<vmem>> -> memref<128x64xf32, #tpu.memory_space<vmem>>
          %dma_wait3A_197 = tpu.memref_slice %arg11[%mul3A_192] : memref<20000xi32, #tpu.memory_space<vmem>> -> memref<128xi32, #tpu.memory_space<vmem>>
          %dma_wait3A_198 = arith.constant 0 : i32
          %dma_wait3A_199 = arith.constant 0 : i32
          %dma_wait3A_200 = tpu.memref_slice %arg14[%dma_wait3A_198, %dma_wait3A_199] : memref<10240x64xf32, #tpu.memory_space<vmem_shared>> -> memref<10240x64xf32, #tpu.memory_space<vmem_shared>>
          tpu.wait_indirect_dma semaphore(%arg17 : memref<!tpu.dma_semaphore, #tpu.memory_space<semaphore_mem>>) src(%dma_wait3A_196 : memref<128x64xf32, #tpu.memory_space<vmem>>) dst(%dma_wait3A_200 : memref<10240x64xf32, #tpu.memory_space<vmem_shared>>)
          %mul3A_201 = arith.constant 128 : i32
          %mul3A_202 = arith.muli %sub3A_186, %mul3A_201 : i32
          %dma_wait3A_203 = tpu.memref_slice %arg11[%mul3A_202] : memref<20000xi32, #tpu.memory_space<vmem>> -> memref<128xi32, #tpu.memory_space<vmem>>
          %dma_wait3A_204 = arith.constant 0 : i32
          %dma_wait3A_205 = tpu.memref_slice %arg15[%dma_wait3A_204] : memref<10240xf32, #tpu.memory_space<vmem_shared>> -> memref<10240xf32, #tpu.memory_space<vmem_shared>>
          tpu.wait_indirect_dma semaphore(%arg17 : memref<!tpu.dma_semaphore, #tpu.memory_space<semaphore_mem>>) src(%arg13 : memref<128xf32, #tpu.memory_space<vmem>>) dst(%dma_wait3A_205 : memref<10240xf32, #tpu.memory_space<vmem_shared>>)
        } else {
        }
        %add3A = arith.constant 2 : i32
        %add3A_181 = arith.addi %scan3A_150, %add3A : i32
        %lt3A = arith.constant 156 : i32
        %lt3A_182 = arith.cmpi slt, %add3A_181, %lt3A : i32
        %convert_element_type3A_183 = arith.extui %lt3A_182 : i1 to i32
        %cond3A_184 = arith.constant 0 : i32
        %cond3A_185 = arith.cmpi ne, %convert_element_type3A_183, %cond3A_184 : i32
        scf.if %cond3A_185 {
          %add3A_186 = arith.constant 2 : i32
          %add3A_187 = arith.addi %scan3A_150, %add3A_186 : i32
          %add3A_188 = arith.constant 2 : i32
          %add3A_189 = arith.addi %scan3A_150, %add3A_188 : i32
          %and3A_190 = arith.constant 3 : i32
          %and3A_191 = arith.andi %add3A_189, %and3A_190 : i32
          %mul3A_192 = arith.constant 128 : i32
          %mul3A_193 = arith.muli %add3A_187, %mul3A_192 : i32
          %dma_start3A_194 = arith.constant 0 : i32
          %dma_start3A_195 = arith.constant 0 : i32
          %dma_start3A_196 = tpu.memref_slice %arg12[%and3A_191, %dma_start3A_194, %dma_start3A_195] : memref<4x128x64xf32, #tpu.memory_space<vmem>> -> memref<1x128x64xf32, #tpu.memory_space<vmem>>
          %dma_start3A_197 = tpu.memref_squeeze %dma_start3A_196 : memref<1x128x64xf32, #tpu.memory_space<vmem>> -> memref<128x64xf32, #tpu.memory_space<vmem>>
          %dma_start3A_198 = tpu.memref_slice %arg10[%mul3A_193] : memref<20000xi32, #tpu.memory_space<vmem>> -> memref<128xi32, #tpu.memory_space<vmem>>
          %dma_start3A_199 = arith.constant 0 : i32
          %dma_start3A_200 = arith.constant 0 : i32
          %dma_start3A_201 = tpu.memref_slice %arg2[%dma_start3A_199, %dma_start3A_200] : memref<160000x64xf32, #tpu.memory_space<hbm>> -> memref<160000x64xf32, #tpu.memory_space<hbm>>
          tpu.enqueue_indirect_dma source(%dma_start3A_201 : memref<160000x64xf32, #tpu.memory_space<hbm>>) target(%dma_start3A_197 : memref<128x64xf32, #tpu.memory_space<vmem>>) offsets(%dma_start3A_198 : memref<128xi32, #tpu.memory_space<vmem>>) semaphore(%arg16 : memref<!tpu.dma_semaphore, #tpu.memory_space<semaphore_mem>>)
        } else {
        }
      }
      %scan3A_102 = arith.constant 156 : i32
      %dma_wait3A = arith.constant 2 : i32
      %dma_wait3A_103 = arith.constant 0 : i32
      %dma_wait3A_104 = arith.constant 0 : i32
      %dma_wait3A_105 = tpu.memref_slice %arg12[%dma_wait3A, %dma_wait3A_103, %dma_wait3A_104] : memref<4x128x64xf32, #tpu.memory_space<vmem>> -> memref<1x128x64xf32, #tpu.memory_space<vmem>>
      %dma_wait3A_106 = tpu.memref_squeeze %dma_wait3A_105 : memref<1x128x64xf32, #tpu.memory_space<vmem>> -> memref<128x64xf32, #tpu.memory_space<vmem>>
      %dma_wait3A_107 = arith.constant 19712 : i32
      %dma_wait3A_108 = tpu.memref_slice %arg11[%dma_wait3A_107] : memref<20000xi32, #tpu.memory_space<vmem>> -> memref<128xi32, #tpu.memory_space<vmem>>
      %dma_wait3A_109 = arith.constant 0 : i32
      %dma_wait3A_110 = arith.constant 0 : i32
      %dma_wait3A_111 = tpu.memref_slice %arg14[%dma_wait3A_109, %dma_wait3A_110] : memref<10240x64xf32, #tpu.memory_space<vmem_shared>> -> memref<10240x64xf32, #tpu.memory_space<vmem_shared>>
      tpu.wait_indirect_dma semaphore(%arg17 : memref<!tpu.dma_semaphore, #tpu.memory_space<semaphore_mem>>) src(%dma_wait3A_106 : memref<128x64xf32, #tpu.memory_space<vmem>>) dst(%dma_wait3A_111 : memref<10240x64xf32, #tpu.memory_space<vmem_shared>>)
      %dma_wait3A_112 = arith.constant 19712 : i32
      %dma_wait3A_113 = tpu.memref_slice %arg11[%dma_wait3A_112] : memref<20000xi32, #tpu.memory_space<vmem>> -> memref<128xi32, #tpu.memory_space<vmem>>
      %dma_wait3A_114 = arith.constant 0 : i32
      %dma_wait3A_115 = tpu.memref_slice %arg15[%dma_wait3A_114] : memref<10240xf32, #tpu.memory_space<vmem_shared>> -> memref<10240xf32, #tpu.memory_space<vmem_shared>>
      tpu.wait_indirect_dma semaphore(%arg17 : memref<!tpu.dma_semaphore, #tpu.memory_space<semaphore_mem>>) src(%arg13 : memref<128xf32, #tpu.memory_space<vmem>>) dst(%dma_wait3A_115 : memref<10240xf32, #tpu.memory_space<vmem_shared>>)
      %dma_wait3A_116 = arith.constant 3 : i32
      %dma_wait3A_117 = arith.constant 0 : i32
      %dma_wait3A_118 = arith.constant 0 : i32
      %dma_wait3A_119 = tpu.memref_slice %arg12[%dma_wait3A_116, %dma_wait3A_117, %dma_wait3A_118] : memref<4x128x64xf32, #tpu.memory_space<vmem>> -> memref<1x128x64xf32, #tpu.memory_space<vmem>>
      %dma_wait3A_120 = tpu.memref_squeeze %dma_wait3A_119 : memref<1x128x64xf32, #tpu.memory_space<vmem>> -> memref<128x64xf32, #tpu.memory_space<vmem>>
      %dma_wait3A_121 = arith.constant 19840 : i32
      %dma_wait3A_122 = tpu.memref_slice %arg11[%dma_wait3A_121] : memref<20000xi32, #tpu.memory_space<vmem>> -> memref<128xi32, #tpu.memory_space<vmem>>
      %dma_wait3A_123 = arith.constant 0 : i32
      %dma_wait3A_124 = arith.constant 0 : i32
      %dma_wait3A_125 = tpu.memref_slice %arg14[%dma_wait3A_123, %dma_wait3A_124] : memref<10240x64xf32, #tpu.memory_space<vmem_shared>> -> memref<10240x64xf32, #tpu.memory_space<vmem_shared>>
      tpu.wait_indirect_dma semaphore(%arg17 : memref<!tpu.dma_semaphore, #tpu.memory_space<semaphore_mem>>) src(%dma_wait3A_120 : memref<128x64xf32, #tpu.memory_space<vmem>>) dst(%dma_wait3A_125 : memref<10240x64xf32, #tpu.memory_space<vmem_shared>>)
      %dma_wait3A_126 = arith.constant 19840 : i32
      %dma_wait3A_127 = tpu.memref_slice %arg11[%dma_wait3A_126] : memref<20000xi32, #tpu.memory_space<vmem>> -> memref<128xi32, #tpu.memory_space<vmem>>
      %dma_wait3A_128 = arith.constant 0 : i32
      %dma_wait3A_129 = tpu.memref_slice %arg15[%dma_wait3A_128] : memref<10240xf32, #tpu.memory_space<vmem_shared>> -> memref<10240xf32, #tpu.memory_space<vmem_shared>>
      tpu.wait_indirect_dma semaphore(%arg17 : memref<!tpu.dma_semaphore, #tpu.memory_space<semaphore_mem>>) src(%arg13 : memref<128xf32, #tpu.memory_space<vmem>>) dst(%dma_wait3A_129 : memref<10240xf32, #tpu.memory_space<vmem_shared>>)
      %dma_start3A_130 = arith.constant 0 : i32
      %dma_start3A_131 = arith.constant 0 : i32
      %dma_start3A_132 = arith.constant 0 : i32
      %dma_start3A_133 = tpu.memref_slice %arg12[%dma_start3A_130, %dma_start3A_131, %dma_start3A_132] : memref<4x128x64xf32, #tpu.memory_space<vmem>> -> memref<1x32x64xf32, #tpu.memory_space<vmem>>
      %dma_start3A_134 = tpu.memref_squeeze %dma_start3A_133 : memref<1x32x64xf32, #tpu.memory_space<vmem>> -> memref<32x64xf32, #tpu.memory_space<vmem>>
      %dma_start3A_135 = arith.constant 19968 : i32
      %dma_start3A_136 = tpu.memref_slice %arg10[%dma_start3A_135] : memref<20000xi32, #tpu.memory_space<vmem>> -> memref<32xi32, #tpu.memory_space<vmem>>
      %dma_start3A_137 = arith.constant 0 : i32
      %dma_start3A_138 = arith.constant 0 : i32
      %dma_start3A_139 = tpu.memref_slice %arg2[%dma_start3A_137, %dma_start3A_138] : memref<160000x64xf32, #tpu.memory_space<hbm>> -> memref<160000x64xf32, #tpu.memory_space<hbm>>
      tpu.enqueue_indirect_dma source(%dma_start3A_139 : memref<160000x64xf32, #tpu.memory_space<hbm>>) target(%dma_start3A_134 : memref<32x64xf32, #tpu.memory_space<vmem>>) offsets(%dma_start3A_136 : memref<32xi32, #tpu.memory_space<vmem>>) semaphore(%arg16 : memref<!tpu.dma_semaphore, #tpu.memory_space<semaphore_mem>>)
      %dma_wait3A_140 = arith.constant 0 : i32
      %dma_wait3A_141 = arith.constant 0 : i32
      %dma_wait3A_142 = arith.constant 0 : i32
      %dma_wait3A_143 = tpu.memref_slice %arg12[%dma_wait3A_140, %dma_wait3A_141, %dma_wait3A_142] : memref<4x128x64xf32, #tpu.memory_space<vmem>> -> memref<1x32x64xf32, #tpu.memory_space<vmem>>
      %dma_wait3A_144 = tpu.memref_squeeze %dma_wait3A_143 : memref<1x32x64xf32, #tpu.memory_space<vmem>> -> memref<32x64xf32, #tpu.memory_space<vmem>>
      %dma_wait3A_145 = arith.constant 19968 : i32
      %dma_wait3A_146 = tpu.memref_slice %arg10[%dma_wait3A_145] : memref<20000xi32, #tpu.memory_space<vmem>> -> memref<32xi32, #tpu.memory_space<vmem>>
      %dma_wait3A_147 = arith.constant 0 : i32
      %dma_wait3A_148 = arith.constant 0 : i32
      %dma_wait3A_149 = tpu.memref_slice %arg2[%dma_wait3A_147, %dma_wait3A_148] : memref<160000x64xf32, #tpu.memory_space<hbm>> -> memref<160000x64xf32, #tpu.memory_space<hbm>>
      tpu.wait_indirect_dma semaphore(%arg16 : memref<!tpu.dma_semaphore, #tpu.memory_space<semaphore_mem>>) src(%dma_wait3A_149 : memref<160000x64xf32, #tpu.memory_space<hbm>>) dst(%dma_wait3A_144 : memref<32x64xf32, #tpu.memory_space<vmem>>)
      %run_scoped3A = arith.constant 0 : i32
      "tpu.region"() ({
        %run_scoped3A_150 = tpu.sem_alloc : memref<!tpu.dma_semaphore, #tpu.memory_space<semaphore_mem>>
        %dma_start3A_151 = arith.constant 0 : i32
        %dma_start3A_152 = arith.constant 0 : i32
        %dma_start3A_153 = tpu.memref_slice %arg12[%run_scoped3A, %dma_start3A_151, %dma_start3A_152] : memref<4x128x64xf32, #tpu.memory_space<vmem>> -> memref<1x32x64xf32, #tpu.memory_space<vmem>>
        %dma_start3A_154 = tpu.memref_squeeze %dma_start3A_153 : memref<1x32x64xf32, #tpu.memory_space<vmem>> -> memref<32x64xf32, #tpu.memory_space<vmem>>
        %dma_start3A_155 = arith.constant 19968 : i32
        %dma_start3A_156 = tpu.memref_slice %arg11[%dma_start3A_155] : memref<20000xi32, #tpu.memory_space<vmem>> -> memref<32xi32, #tpu.memory_space<vmem>>
        %dma_start3A_157 = arith.constant 0 : i32
        %dma_start3A_158 = arith.constant 0 : i32
        %dma_start3A_159 = tpu.memref_slice %arg14[%dma_start3A_157, %dma_start3A_158] : memref<10240x64xf32, #tpu.memory_space<vmem_shared>> -> memref<10240x64xf32, #tpu.memory_space<vmem_shared>>
        tpu.enqueue_indirect_dma source(%dma_start3A_154 : memref<32x64xf32, #tpu.memory_space<vmem>>) target(%dma_start3A_159 : memref<10240x64xf32, #tpu.memory_space<vmem_shared>>) offsets(%dma_start3A_156 : memref<32xi32, #tpu.memory_space<vmem>>) semaphore(%run_scoped3A_150 : memref<!tpu.dma_semaphore, #tpu.memory_space<semaphore_mem>>) {add = true}
        %dma_wait3A_160 = arith.constant 0 : i32
        %dma_wait3A_161 = arith.constant 0 : i32
        %dma_wait3A_162 = tpu.memref_slice %arg12[%run_scoped3A, %dma_wait3A_160, %dma_wait3A_161] : memref<4x128x64xf32, #tpu.memory_space<vmem>> -> memref<1x32x64xf32, #tpu.memory_space<vmem>>
        %dma_wait3A_163 = tpu.memref_squeeze %dma_wait3A_162 : memref<1x32x64xf32, #tpu.memory_space<vmem>> -> memref<32x64xf32, #tpu.memory_space<vmem>>
        %dma_wait3A_164 = arith.constant 19968 : i32
        %dma_wait3A_165 = tpu.memref_slice %arg11[%dma_wait3A_164] : memref<20000xi32, #tpu.memory_space<vmem>> -> memref<32xi32, #tpu.memory_space<vmem>>
        %dma_wait3A_166 = arith.constant 0 : i32
        %dma_wait3A_167 = arith.constant 0 : i32
        %dma_wait3A_168 = tpu.memref_slice %arg14[%dma_wait3A_166, %dma_wait3A_167] : memref<10240x64xf32, #tpu.memory_space<vmem_shared>> -> memref<10240x64xf32, #tpu.memory_space<vmem_shared>>
        tpu.wait_indirect_dma semaphore(%run_scoped3A_150 : memref<!tpu.dma_semaphore, #tpu.memory_space<semaphore_mem>>) src(%dma_wait3A_163 : memref<32x64xf32, #tpu.memory_space<vmem>>) dst(%dma_wait3A_168 : memref<10240x64xf32, #tpu.memory_space<vmem_shared>>)
        tpu.yield
      }) : () -> ()
      "tpu.region"() ({
        %run_scoped3A_150 = tpu.sem_alloc : memref<!tpu.dma_semaphore, #tpu.memory_space<semaphore_mem>>
        %dma_start3A_151 = arith.constant 0 : i32
        %dma_start3A_152 = tpu.memref_slice %arg13[%dma_start3A_151] : memref<128xf32, #tpu.memory_space<vmem>> -> memref<32xf32, #tpu.memory_space<vmem>>
        %dma_start3A_153 = arith.constant 19968 : i32
        %dma_start3A_154 = tpu.memref_slice %arg11[%dma_start3A_153] : memref<20000xi32, #tpu.memory_space<vmem>> -> memref<32xi32, #tpu.memory_space<vmem>>
        %dma_start3A_155 = arith.constant 0 : i32
        %dma_start3A_156 = tpu.memref_slice %arg15[%dma_start3A_155] : memref<10240xf32, #tpu.memory_space<vmem_shared>> -> memref<10240xf32, #tpu.memory_space<vmem_shared>>
        tpu.enqueue_indirect_dma source(%dma_start3A_152 : memref<32xf32, #tpu.memory_space<vmem>>) target(%dma_start3A_156 : memref<10240xf32, #tpu.memory_space<vmem_shared>>) offsets(%dma_start3A_154 : memref<32xi32, #tpu.memory_space<vmem>>) semaphore(%run_scoped3A_150 : memref<!tpu.dma_semaphore, #tpu.memory_space<semaphore_mem>>) {add = true}
        %dma_wait3A_157 = arith.constant 0 : i32
        %dma_wait3A_158 = tpu.memref_slice %arg13[%dma_wait3A_157] : memref<128xf32, #tpu.memory_space<vmem>> -> memref<32xf32, #tpu.memory_space<vmem>>
        %dma_wait3A_159 = arith.constant 19968 : i32
        %dma_wait3A_160 = tpu.memref_slice %arg11[%dma_wait3A_159] : memref<20000xi32, #tpu.memory_space<vmem>> -> memref<32xi32, #tpu.memory_space<vmem>>
        %dma_wait3A_161 = arith.constant 0 : i32
        %dma_wait3A_162 = tpu.memref_slice %arg15[%dma_wait3A_161] : memref<10240xf32, #tpu.memory_space<vmem_shared>> -> memref<10240xf32, #tpu.memory_space<vmem_shared>>
        tpu.wait_indirect_dma semaphore(%run_scoped3A_150 : memref<!tpu.dma_semaphore, #tpu.memory_space<semaphore_mem>>) src(%dma_wait3A_158 : memref<32xf32, #tpu.memory_space<vmem>>) dst(%dma_wait3A_162 : memref<10240xf32, #tpu.memory_space<vmem_shared>>)
        tpu.yield
      }) : () -> ()
    } else {
    }
    %barrier3A_71 = arith.constant 0 : index
    tpu.barrier barrier_id(%barrier3A_71)
    %mul3A_72 = arith.constant 64 : i32
    %mul3A_73 = arith.muli %arg0, %mul3A_72 : i32
    "tpu.region"() ({
      %run_scoped3A = tpu.sem_alloc : memref<!tpu.dma_semaphore, #tpu.memory_space<semaphore_mem>>
      %dma_start3A = tpu.memref_slice %arg8[%mul3A_0, %mul3A_73] : memref<10240x128xf32, #tpu.memory_space<hbm>> -> memref<640x64xf32, #tpu.memory_space<hbm>>
      %dma_start3A_79 = arith.constant 0 : i32
      %dma_start3A_80 = tpu.memref_slice %arg14[%mul3A_0, %dma_start3A_79] : memref<10240x64xf32, #tpu.memory_space<vmem_shared>> -> memref<640x64xf32, #tpu.memory_space<vmem_shared>>
      tpu.enqueue_dma source(%dma_start3A_80 : memref<640x64xf32, #tpu.memory_space<vmem_shared>>) target(%dma_start3A : memref<640x64xf32, #tpu.memory_space<hbm>>) target_semaphore(%run_scoped3A : memref<!tpu.dma_semaphore, #tpu.memory_space<semaphore_mem>>)
      %dma_wait3A = tpu.memref_slice %arg8[%mul3A_0, %mul3A_73] : memref<10240x128xf32, #tpu.memory_space<hbm>> -> memref<640x64xf32, #tpu.memory_space<hbm>>
      %dma_wait3A_81 = arith.constant 0 : i32
      %dma_wait3A_82 = tpu.memref_slice %arg14[%mul3A_0, %dma_wait3A_81] : memref<10240x64xf32, #tpu.memory_space<vmem_shared>> -> memref<640x64xf32, #tpu.memory_space<vmem_shared>>
      tpu.wait_dma2 semaphore(%run_scoped3A : memref<!tpu.dma_semaphore, #tpu.memory_space<semaphore_mem>>) src(%dma_wait3A_82 : memref<640x64xf32, #tpu.memory_space<vmem_shared>>) dst(%dma_wait3A : memref<640x64xf32, #tpu.memory_space<hbm>>)
      tpu.yield
    }) : () -> ()
    %eq3A_74 = arith.constant 1 : i32
    %eq3A_75 = arith.cmpi eq, %arg0, %eq3A_74 : i32
    %convert_element_type3A_76 = arith.extui %eq3A_75 : i1 to i32
    %cond3A_77 = arith.constant 0 : i32
    %cond3A_78 = arith.cmpi ne, %convert_element_type3A_76, %cond3A_77 : i32
    scf.if %cond3A_78 {
      "tpu.region"() ({
        %run_scoped3A = tpu.sem_alloc : memref<!tpu.dma_semaphore, #tpu.memory_space<semaphore_mem>>
        %dma_start3A = tpu.memref_slice %arg9[%mul3A_0] : memref<10240xf32, #tpu.memory_space<hbm>> -> memref<640xf32, #tpu.memory_space<hbm>>
        %dma_start3A_79 = tpu.memref_slice %arg15[%mul3A_0] : memref<10240xf32, #tpu.memory_space<vmem_shared>> -> memref<640xf32, #tpu.memory_space<vmem_shared>>
        tpu.enqueue_dma source(%dma_start3A_79 : memref<640xf32, #tpu.memory_space<vmem_shared>>) target(%dma_start3A : memref<640xf32, #tpu.memory_space<hbm>>) target_semaphore(%run_scoped3A : memref<!tpu.dma_semaphore, #tpu.memory_space<semaphore_mem>>)
        %dma_wait3A = tpu.memref_slice %arg9[%mul3A_0] : memref<10240xf32, #tpu.memory_space<hbm>> -> memref<640xf32, #tpu.memory_space<hbm>>
        %dma_wait3A_80 = tpu.memref_slice %arg15[%mul3A_0] : memref<10240xf32, #tpu.memory_space<vmem_shared>> -> memref<640xf32, #tpu.memory_space<vmem_shared>>
        tpu.wait_dma2 semaphore(%run_scoped3A : memref<!tpu.dma_semaphore, #tpu.memory_space<semaphore_mem>>) src(%dma_wait3A_80 : memref<640xf32, #tpu.memory_space<vmem_shared>>) dst(%dma_wait3A : memref<640xf32, #tpu.memory_space<hbm>>)
        tpu.yield
      }) : () -> ()
    } else {
    }
    return
  }
}

module attributes {stable_mosaic.version = 14 : i64} {
  func.func @_edge_prep_body(%arg0: memref<2x320000xi32, #tpu.memory_space<vmem>>, %arg1: memref<320000xi32, #tpu.memory_space<vmem>>, %arg2: memref<320000xi32, #tpu.memory_space<vmem>>, %arg3: memref<320000xi32, #tpu.memory_space<vmem>>, %arg4: memref<320000xi32, #tpu.memory_space<vmem>>) attributes {dimension_semantics = [], scalar_prefetch = 0 : i64, scratch_operands = 0 : i64, tpu.core_type = #tpu.core_type<tc>} {
    %get3A = arith.constant 0 : index
    %get3A_0 = vector.load %arg1[%get3A] : memref<320000xi32, #tpu.memory_space<vmem>>, vector<320000xi32>
    %mul3A = arith.constant 10000 : i32
    %mul3A_1 = vector.broadcast %mul3A : i32 to vector<320000xi32>
    %mul3A_2 = arith.muli %get3A_0, %mul3A_1 : vector<320000xi32>
    %get3A_3 = arith.constant 0 : index
    %get3A_4 = arith.constant 0 : index
    %get3A_5 = vector.load %arg0[%get3A_3, %get3A_4] : memref<2x320000xi32, #tpu.memory_space<vmem>>, vector<1x320000xi32>
    %get3A_6 = vector.shape_cast %get3A_5 : vector<1x320000xi32> to vector<320000xi32>
    %add3A = arith.addi %mul3A_2, %get3A_6 : vector<320000xi32>
    %mul3A_7 = arith.constant 2 : i32
    %mul3A_8 = vector.broadcast %mul3A_7 : i32 to vector<320000xi32>
    %mul3A_9 = arith.muli %add3A, %mul3A_8 : vector<320000xi32>
    %swap3A = arith.constant 0 : index
    %swap3A_10 = vector.load %arg2[%swap3A] : memref<320000xi32, #tpu.memory_space<vmem>>, vector<320000xi32>
    tpu.vector_store %arg2[%swap3A], %mul3A_9 {strides = array<i32>} : memref<320000xi32, #tpu.memory_space<vmem>>, vector<320000xi32>,
    %add3A_11 = arith.constant 1 : i32
    %add3A_12 = vector.broadcast %add3A_11 : i32 to vector<320000xi32>
    %add3A_13 = arith.addi %mul3A_9, %add3A_12 : vector<320000xi32>
    %swap3A_14 = arith.constant 0 : index
    %swap3A_15 = vector.load %arg3[%swap3A_14] : memref<320000xi32, #tpu.memory_space<vmem>>, vector<320000xi32>
    tpu.vector_store %arg3[%swap3A_14], %add3A_13 {strides = array<i32>} : memref<320000xi32, #tpu.memory_space<vmem>>, vector<320000xi32>,
    %get3A_16 = arith.constant 1 : index
    %get3A_17 = arith.constant 0 : index
    %get3A_18 = vector.load %arg0[%get3A_16, %get3A_17] : memref<2x320000xi32, #tpu.memory_space<vmem>>, vector<1x320000xi32>
    %get3A_19 = vector.shape_cast %get3A_18 : vector<1x320000xi32> to vector<320000xi32>
    %swap3A_20 = arith.constant 0 : index
    %swap3A_21 = vector.load %arg4[%swap3A_20] : memref<320000xi32, #tpu.memory_space<vmem>>, vector<320000xi32>
    tpu.vector_store %arg4[%swap3A_20], %get3A_19 {strides = array<i32>} : memref<320000xi32, #tpu.memory_space<vmem>>, vector<320000xi32>,
    return
  }
}

module attributes {stable_mosaic.version = 14 : i64} {
  func.func @_y_body(%arg0: i32, %arg1: memref<1000x128xf32, #tpu.memory_space<vmem>>, %arg2: memref<128x1024xf32, #tpu.memory_space<vmem>>, %arg3: memref<8x1000x128xf32, #tpu.memory_space<vmem>>) attributes {dimension_semantics = [#tpu.dimension_semantics<arbitrary>], iteration_bounds = array<i64: 10>, scalar_prefetch = 0 : i64, scratch_operands = 0 : i64, tpu.core_type = #tpu.core_type<tc>, window_params = [{transform_indices = @transform_0, window_bounds = array<i64: 1000, 128>}, {pipeline_mode = #tpu.pipeline_mode<synchronous>, transform_indices = @transform_1, window_bounds = array<i64: 128, 1024>}, {transform_indices = @transform_2, window_bounds = array<i64: 8, 1000, 128>}]} {
    %get3A = arith.constant 0 : index
    %get3A_0 = arith.constant 0 : index
    %get3A_1 = vector.load %arg1[%get3A, %get3A_0] : memref<1000x128xf32, #tpu.memory_space<vmem>>, vector<1000x128xf32>
    %get3A_2 = arith.constant 0 : index
    %get3A_3 = arith.constant 0 : index
    %get3A_4 = vector.load %arg2[%get3A_2, %get3A_3] : memref<128x1024xf32, #tpu.memory_space<vmem>>, vector<128x1024xf32>
    %dot_general3A = arith.constant dense<0.000000e+00> : vector<1000x1024xf32>
    %dot_general3A_5 = tpu.matmul %get3A_1, %get3A_4, %dot_general3A {dimension_numbers = #tpu.dot_dimension_numbers<[1], [0], [0], [1], [0, 0, 1, 1], [], []>, transpose_lhs_hint = false} : vector<1000x128xf32>, vector<128x1024xf32>, vector<1000x1024xf32> -> vector<1000x1024xf32>
    %slice3A = vector.extract_strided_slice %dot_general3A_5 {offsets = [0, 0], sizes = [1000, 128], strides = [1, 1]} : vector<1000x1024xf32> to vector<1000x128xf32>
    %swap3A = arith.constant 0 : index
    %swap3A_6 = arith.constant 0 : index
    %swap3A_7 = arith.constant 0 : index
    %swap3A_8 = vector.load %arg3[%swap3A, %swap3A_6, %swap3A_7] : memref<8x1000x128xf32, #tpu.memory_space<vmem>>, vector<1x1000x128xf32>
    %swap3A_9 = vector.shape_cast %swap3A_8 : vector<1x1000x128xf32> to vector<1000x128xf32>
    %swap3A_10 = vector.shape_cast %slice3A : vector<1000x128xf32> to vector<1x1000x128xf32>
    tpu.vector_store %arg3[%swap3A, %swap3A_6, %swap3A_7], %swap3A_10 {strides = array<i32>} : memref<8x1000x128xf32, #tpu.memory_space<vmem>>, vector<1x1000x128xf32>,
    %slice3A_11 = vector.extract_strided_slice %dot_general3A_5 {offsets = [0, 128], sizes = [1000, 128], strides = [1, 1]} : vector<1000x1024xf32> to vector<1000x128xf32>
    %swap3A_12 = arith.constant 1 : index
    %swap3A_13 = arith.constant 0 : index
    %swap3A_14 = arith.constant 0 : index
    %swap3A_15 = vector.load %arg3[%swap3A_12, %swap3A_13, %swap3A_14] : memref<8x1000x128xf32, #tpu.memory_space<vmem>>, vector<1x1000x128xf32>
    %swap3A_16 = vector.shape_cast %swap3A_15 : vector<1x1000x128xf32> to vector<1000x128xf32>
    %swap3A_17 = vector.shape_cast %slice3A_11 : vector<1000x128xf32> to vector<1x1000x128xf32>
    tpu.vector_store %arg3[%swap3A_12, %swap3A_13, %swap3A_14], %swap3A_17 {strides = array<i32>} : memref<8x1000x128xf32, #tpu.memory_space<vmem>>, vector<1x1000x128xf32>,
    %slice3A_18 = vector.extract_strided_slice %dot_general3A_5 {offsets = [0, 256], sizes = [1000, 128], strides = [1, 1]} : vector<1000x1024xf32> to vector<1000x128xf32>
    %swap3A_19 = arith.constant 2 : index
    %swap3A_20 = arith.constant 0 : index
    %swap3A_21 = arith.constant 0 : index
    %swap3A_22 = vector.load %arg3[%swap3A_19, %swap3A_20, %swap3A_21] : memref<8x1000x128xf32, #tpu.memory_space<vmem>>, vector<1x1000x128xf32>
    %swap3A_23 = vector.shape_cast %swap3A_22 : vector<1x1000x128xf32> to vector<1000x128xf32>
    %swap3A_24 = vector.shape_cast %slice3A_18 : vector<1000x128xf32> to vector<1x1000x128xf32>
    tpu.vector_store %arg3[%swap3A_19, %swap3A_20, %swap3A_21], %swap3A_24 {strides = array<i32>} : memref<8x1000x128xf32, #tpu.memory_space<vmem>>, vector<1x1000x128xf32>,
    %slice3A_25 = vector.extract_strided_slice %dot_general3A_5 {offsets = [0, 384], sizes = [1000, 128], strides = [1, 1]} : vector<1000x1024xf32> to vector<1000x128xf32>
    %swap3A_26 = arith.constant 3 : index
    %swap3A_27 = arith.constant 0 : index
    %swap3A_28 = arith.constant 0 : index
    %swap3A_29 = vector.load %arg3[%swap3A_26, %swap3A_27, %swap3A_28] : memref<8x1000x128xf32, #tpu.memory_space<vmem>>, vector<1x1000x128xf32>
    %swap3A_30 = vector.shape_cast %swap3A_29 : vector<1x1000x128xf32> to vector<1000x128xf32>
    %swap3A_31 = vector.shape_cast %slice3A_25 : vector<1000x128xf32> to vector<1x1000x128xf32>
    tpu.vector_store %arg3[%swap3A_26, %swap3A_27, %swap3A_28], %swap3A_31 {strides = array<i32>} : memref<8x1000x128xf32, #tpu.memory_space<vmem>>, vector<1x1000x128xf32>,
    %slice3A_32 = vector.extract_strided_slice %dot_general3A_5 {offsets = [0, 512], sizes = [1000, 128], strides = [1, 1]} : vector<1000x1024xf32> to vector<1000x128xf32>
    %swap3A_33 = arith.constant 4 : index
    %swap3A_34 = arith.constant 0 : index
    %swap3A_35 = arith.constant 0 : index
    %swap3A_36 = vector.load %arg3[%swap3A_33, %swap3A_34, %swap3A_35] : memref<8x1000x128xf32, #tpu.memory_space<vmem>>, vector<1x1000x128xf32>
    %swap3A_37 = vector.shape_cast %swap3A_36 : vector<1x1000x128xf32> to vector<1000x128xf32>
    %swap3A_38 = vector.shape_cast %slice3A_32 : vector<1000x128xf32> to vector<1x1000x128xf32>
    tpu.vector_store %arg3[%swap3A_33, %swap3A_34, %swap3A_35], %swap3A_38 {strides = array<i32>} : memref<8x1000x128xf32, #tpu.memory_space<vmem>>, vector<1x1000x128xf32>,
    %slice3A_39 = vector.extract_strided_slice %dot_general3A_5 {offsets = [0, 640], sizes = [1000, 128], strides = [1, 1]} : vector<1000x1024xf32> to vector<1000x128xf32>
    %swap3A_40 = arith.constant 5 : index
    %swap3A_41 = arith.constant 0 : index
    %swap3A_42 = arith.constant 0 : index
    %swap3A_43 = vector.load %arg3[%swap3A_40, %swap3A_41, %swap3A_42] : memref<8x1000x128xf32, #tpu.memory_space<vmem>>, vector<1x1000x128xf32>
    %swap3A_44 = vector.shape_cast %swap3A_43 : vector<1x1000x128xf32> to vector<1000x128xf32>
    %swap3A_45 = vector.shape_cast %slice3A_39 : vector<1000x128xf32> to vector<1x1000x128xf32>
    tpu.vector_store %arg3[%swap3A_40, %swap3A_41, %swap3A_42], %swap3A_45 {strides = array<i32>} : memref<8x1000x128xf32, #tpu.memory_space<vmem>>, vector<1x1000x128xf32>,
    %slice3A_46 = vector.extract_strided_slice %dot_general3A_5 {offsets = [0, 768], sizes = [1000, 128], strides = [1, 1]} : vector<1000x1024xf32> to vector<1000x128xf32>
    %swap3A_47 = arith.constant 6 : index
    %swap3A_48 = arith.constant 0 : index
    %swap3A_49 = arith.constant 0 : index
    %swap3A_50 = vector.load %arg3[%swap3A_47, %swap3A_48, %swap3A_49] : memref<8x1000x128xf32, #tpu.memory_space<vmem>>, vector<1x1000x128xf32>
    %swap3A_51 = vector.shape_cast %swap3A_50 : vector<1x1000x128xf32> to vector<1000x128xf32>
    %swap3A_52 = vector.shape_cast %slice3A_46 : vector<1000x128xf32> to vector<1x1000x128xf32>
    tpu.vector_store %arg3[%swap3A_47, %swap3A_48, %swap3A_49], %swap3A_52 {strides = array<i32>} : memref<8x1000x128xf32, #tpu.memory_space<vmem>>, vector<1x1000x128xf32>,
    %slice3A_53 = vector.extract_strided_slice %dot_general3A_5 {offsets = [0, 896], sizes = [1000, 128], strides = [1, 1]} : vector<1000x1024xf32> to vector<1000x128xf32>
    %swap3A_54 = arith.constant 7 : index
    %swap3A_55 = arith.constant 0 : index
    %swap3A_56 = arith.constant 0 : index
    %swap3A_57 = vector.load %arg3[%swap3A_54, %swap3A_55, %swap3A_56] : memref<8x1000x128xf32, #tpu.memory_space<vmem>>, vector<1x1000x128xf32>
    %swap3A_58 = vector.shape_cast %swap3A_57 : vector<1x1000x128xf32> to vector<1000x128xf32>
    %swap3A_59 = vector.shape_cast %slice3A_53 : vector<1000x128xf32> to vector<1x1000x128xf32>
    tpu.vector_store %arg3[%swap3A_54, %swap3A_55, %swap3A_56], %swap3A_59 {strides = array<i32>} : memref<8x1000x128xf32, #tpu.memory_space<vmem>>, vector<1x1000x128xf32>,
    return
  }
  func.func @transform_0(%arg0: i32) -> (i32, i32) {
    %c0_i32 = arith.constant 0 : i32
    %c0_i32_0 = arith.constant 0 : i32
    return %arg0, %c0_i32 : i32, i32
  }
  func.func @transform_1(%arg0: i32) -> (i32, i32) {
    %c0_i32 = arith.constant 0 : i32
    %c0_i32_0 = arith.constant 0 : i32
    %c0_i32_1 = arith.constant 0 : i32
    return %c0_i32, %c0_i32_0 : i32, i32
  }
  func.func @transform_2(%arg0: i32) -> (i32, i32, i32) {
    %c0_i32 = arith.constant 0 : i32
    %c0_i32_0 = arith.constant 0 : i32
    %c0_i32_1 = arith.constant 0 : i32
    return %c0_i32, %arg0, %c0_i32_0 : i32, i32, i32
  }
}

module attributes {stable_mosaic.version = 14 : i64} {
  func.func @_combine_body(%arg0: i32, %arg1: memref<1000x128xf32, #tpu.memory_space<vmem>>, %arg2: memref<128x128xf32, #tpu.memory_space<vmem>>, %arg3: memref<1x128xf32, #tpu.memory_space<vmem>>, %arg4: memref<1000x128xf32, #tpu.memory_space<vmem>>, %arg5: memref<1000x1xf32, #tpu.memory_space<vmem>>, %arg6: memref<1000x128xf32, #tpu.memory_space<vmem>>) attributes {dimension_semantics = [#tpu.dimension_semantics<arbitrary>], iteration_bounds = array<i64: 10>, scalar_prefetch = 0 : i64, scratch_operands = 0 : i64, tpu.core_type = #tpu.core_type<tc>, window_params = [{transform_indices = @transform_0, window_bounds = array<i64: 1000, 128>}, {pipeline_mode = #tpu.pipeline_mode<synchronous>, transform_indices = @transform_1, window_bounds = array<i64: 128, 128>}, {pipeline_mode = #tpu.pipeline_mode<synchronous>, transform_indices = @transform_2, window_bounds = array<i64: 1, 128>}, {transform_indices = @transform_3, window_bounds = array<i64: 1000, 128>}, {transform_indices = @transform_4, window_bounds = array<i64: 1000, 1>}, {transform_indices = @transform_5, window_bounds = array<i64: 1000, 128>}]} {
    %get3A = arith.constant 0 : index
    %get3A_0 = arith.constant 0 : index
    %get3A_1 = vector.load %arg5[%get3A, %get3A_0] : memref<1000x1xf32, #tpu.memory_space<vmem>>, vector<1000x1xf32>
    %max3A = arith.constant 1.000000e+00 : f32
    %max3A_2 = vector.broadcast %max3A : f32 to vector<1000x1xf32>
    %max3A_3 = arith.maximumf %get3A_1, %max3A_2 : vector<1000x1xf32>
    %get3A_4 = arith.constant 0 : index
    %get3A_5 = arith.constant 0 : index
    %get3A_6 = vector.load %arg1[%get3A_4, %get3A_5] : memref<1000x128xf32, #tpu.memory_space<vmem>>, vector<1000x128xf32>
    %get3A_7 = arith.constant 0 : index
    %get3A_8 = arith.constant 0 : index
    %get3A_9 = vector.load %arg2[%get3A_7, %get3A_8] : memref<128x128xf32, #tpu.memory_space<vmem>>, vector<128x128xf32>
    %dot_general3A = arith.constant dense<0.000000e+00> : vector<1000x128xf32>
    %dot_general3A_10 = tpu.matmul %get3A_6, %get3A_9, %dot_general3A {dimension_numbers = #tpu.dot_dimension_numbers<[1], [1], [0], [0], [0, 0, 1, 0], [], []>, transpose_lhs_hint = false} : vector<1000x128xf32>, vector<128x128xf32>, vector<1000x128xf32> -> vector<1000x128xf32>
    %get3A_11 = arith.constant 0 : index
    %get3A_12 = arith.constant 0 : index
    %get3A_13 = vector.load %arg3[%get3A_11, %get3A_12] : memref<1x128xf32, #tpu.memory_space<vmem>>, vector<1x128xf32>
    %add3A = vector.broadcast %get3A_13 : vector<1x128xf32> to vector<1000x128xf32>
    %add3A_14 = arith.addf %dot_general3A_10, %add3A : vector<1000x128xf32>
    %get3A_15 = arith.constant 0 : index
    %get3A_16 = arith.constant 0 : index
    %get3A_17 = vector.load %arg4[%get3A_15, %get3A_16] : memref<1000x128xf32, #tpu.memory_space<vmem>>, vector<1000x128xf32>
    %div3A = vector.broadcast %max3A_3 : vector<1000x1xf32> to vector<1000x128xf32>
    %div3A_18 = arith.divf %get3A_17, %div3A : vector<1000x128xf32>
    %add3A_19 = arith.addf %add3A_14, %div3A_18 : vector<1000x128xf32>
    %max3A_20 = arith.constant 0.000000e+00 : f32
    %max3A_21 = vector.broadcast %max3A_20 : f32 to vector<1000x128xf32>
    %max3A_22 = arith.maximumf %add3A_19, %max3A_21 : vector<1000x128xf32>
    %swap3A = arith.constant 0 : index
    %swap3A_23 = arith.constant 0 : index
    %swap3A_24 = vector.load %arg6[%swap3A, %swap3A_23] : memref<1000x128xf32, #tpu.memory_space<vmem>>, vector<1000x128xf32>
    tpu.vector_store %arg6[%swap3A, %swap3A_23], %max3A_22 {strides = array<i32>} : memref<1000x128xf32, #tpu.memory_space<vmem>>, vector<1000x128xf32>,
    return
  }
  func.func @transform_0(%arg0: i32) -> (i32, i32) {
    %c0_i32 = arith.constant 0 : i32
    %c0_i32_0 = arith.constant 0 : i32
    return %arg0, %c0_i32 : i32, i32
  }
  func.func @transform_1(%arg0: i32) -> (i32, i32) {
    %c0_i32 = arith.constant 0 : i32
    %c0_i32_0 = arith.constant 0 : i32
    %c0_i32_1 = arith.constant 0 : i32
    return %c0_i32, %c0_i32_0 : i32, i32
  }
  func.func @transform_2(%arg0: i32) -> (i32, i32) {
    %c0_i32 = arith.constant 0 : i32
    %c0_i32_0 = arith.constant 0 : i32
    %c0_i32_1 = arith.constant 0 : i32
    return %c0_i32, %c0_i32_0 : i32, i32
  }
  func.func @transform_3(%arg0: i32) -> (i32, i32) {
    %c0_i32 = arith.constant 0 : i32
    %c0_i32_0 = arith.constant 0 : i32
    return %arg0, %c0_i32 : i32, i32
  }
  func.func @transform_4(%arg0: i32) -> (i32, i32) {
    %c0_i32 = arith.constant 0 : i32
    %c0_i32_0 = arith.constant 0 : i32
    return %arg0, %c0_i32 : i32, i32
  }
  func.func @transform_5(%arg0: i32) -> (i32, i32) {
    %c0_i32 = arith.constant 0 : i32
    %c0_i32_0 = arith.constant 0 : i32
    return %arg0, %c0_i32 : i32, i32
  }
}

</mosaic_0001>

<sc_bundles>
// kernel: kernel.6.cloned.1.call-start
scs
__scs_entry_jumppad:
0x0: {  	(pc) =	sbr.rel $0x88, $3  }
0x1: {  	(tag) =	ssettag $0x0;
	lr =	simm.s32 $0x1  }
0x2: {  	[smem:$0x3F9B] =	sst lr;
	_ =	strace $0xD0000000  }
0x3: {  	_ = 	snop  }
0x4: {  	_ = 	snop  }
0x5: {  	_ = 	snop  }
0x6: {  	_ = 	snop  }
0x7: {  	_ = 	snop  }
__scs_overlays_trampoline_lowered:
0x8: {  	[smem:$0x3FAA] =	sst s0  }
0x9: {  	[smem:$0x3FAB] =	sst s1  }
0xa: {  	[smem:$0x3FAC] =	sst s2  }
0xb: {  	[smem:$0x3FAD] =	sst s3  }
0xc: {  	[smem:$0x3FAE] =	sst s4  }
0xd: {  	[smem:$0x3FAF] =	sst s5  }
0xe: {  	[smem:$0x3FB0] =	sst s6  }
0xf: {  	[smem:$0x3FB1] =	sst s7  }
0x10: {  	[smem:$0x3FB2] =	sst s8  }
0x11: {  	[smem:$0x3FB3] =	sst s9;
	s0 =	simm.s32 @!p0 $0x0  }
0x12: {  	s1 =	sld [smem:$0x3F99];
	s0 =	simm.s32 @p0 $0x1  }
0x13: {  	[smem:$0x3FB4] =	sst s0;
	s0 =	simm.s32 @!p1 $0x0  }
0x14: {  	s2 =	sld [smem:$0x3F98];
	s0 =	simm.s32 @p1 $0x1  }
0x15: {  	[smem:$0x3FB5] =	sst s0;
	s0 =	simm.s32 @!p2 $0x0  }
0x16: {  	s3 =	sld [smem:$0x3FDB];
	s0 =	simm.s32 @p2 $0x1  }
0x17: {  	s4 =	simm.s32 $0x1BF5;
	[smem:$0x3FB7] =	sst s0  }
0x18: {  	s0 =	sld [smem:$0x3F9A];
	_ =	swait.ge [sflag:s4], $0x0  }
0x19: {  	s7 =	sld [smem:$0x3F9B]  }
0x1a: {  	s8 =	sadd.s32 $0xFFFFE003, lr  }
0x1b: {  	s9 =	sadd.s32 $0xFFFFFEF7, lr;
	s5 =	simm.s32 $0xFFFFFFFF;
	p2 =	slt.u32 s8, $0xFFFFF086  }
0x1c: {  	p1 =	slt.u32 s9, $0xF7A;
	s5 =	simm.s32 @!p2 $0x0  }
0x1d: {  	s5 =	simm.s32 @p1 $0x1;
	p0 =	seq.s32 s7, s2  }
0x1e: {  	s7 =	smul.u32 @!p0 $0xF7A, s2;
	p2 =	seq.s32 @!p0 s5, $0x0  }
0x1f: {  	s9 =	smul.u32 $0xF7A, s1;
	s8 =	simm.s32 @!p0 $0x1BF5;
	p2 =	por !p2, p0  }
0x20: {  	[sflag:s8] =	ssyncset.s32 @!p0 $0xFFFFF086;
	s6 =	sadd.s32 @!p0 s3, s7;
	s7 =	simm.s32 @!p0 $0x108  }
0x21: {  	s3 =	sadd.s32 s3, s9;
	s6 =	sadd.s32 @!p0 $0x88, s6;
	s7 =	simm.s32 @p2 $0x1082  }
0x22: {  	[simem:s7], [sflag:s8] =	dma.local @!p0 [hbm:s6], $0xF7A  }
0x23: {  	s9 =	sor.u32 $0xD0000000, s2;
	s6 =	simm.s32 $0x108;
	_ =	swait.ge @!p0 [sflag:s8], $0x0  }
0x24: {  	s3 =	sadd.s32 $0x88, s3;
	s6 =	simm.s32 @!p1 $0x1082;
	[sflag:s4] =	ssyncset.s32 $0xFFFFF086  }
0x25: {  	[simem:s6], [sflag:s4] =	dma.local [hbm:s3], $0xF7A  }
0x26: {  	[smem:$0x3F9B] =	sst s1;
	(tag) =	ssettag s2;
	_ =	strace s9  }
0x27: {  	s1 =	sld [smem:$0x3FAB]  }
0x28: {  	s2 =	sld [smem:$0x3FAC]  }
0x29: {  	s4 =	sld [smem:$0x3FAE]  }
0x2a: {  	p0 =	seq.s32 s5, $0x0;
	s5 =	sld [smem:$0x3FAF]  }
0x2b: {  	s6 =	sld [smem:$0x3FB0]  }
0x2c: {  	s7 =	sld [smem:$0x3FB1]  }
0x2d: {  	s3 =	simm.s32 $0x108;
	s8 =	sld [smem:$0x3FB2]  }
0x2e: {  	s3 =	simm.s32 @!p0 $0x1082;
	s9 =	sld [smem:$0x3FB3]  }
0x2f: {  	lr =	sadd.s32 s0, s3;
	s0 =	sld [smem:$0x3FAA]  }
0x30: {  	s3 =	sld [smem:$0x3FAD]  }
0x31: {  	[smem:$0x3FB6] =	sst s10  }
0x32: {  	s10 =	sld [smem:$0x3FB4];
	_ =	sdelay $0x3  }
0x33: {  	p0 =	seq.s32 s10, $0x1;
	s10 =	sld [smem:$0x3FB6];
	_ =	sdelay $0x3  }
0x34: {  	[smem:$0x3FB6] =	sst s10  }
0x35: {  	s10 =	sld [smem:$0x3FB5];
	_ =	sdelay $0x3  }
0x36: {  	p1 =	seq.s32 s10, $0x1;
	s10 =	sld [smem:$0x3FB6];
	_ =	sdelay $0x3  }
0x37: {  	[smem:$0x3FB6] =	sst s10  }
0x38: {  	s10 =	sld [smem:$0x3FB7]  }
0x39: {  	_ = 	snop;
	(pc) =	sbr.ind lr, $3  }
0x3a: {  	_ = 	snop  }
0x3b: {  	_ = 	snop  }
0x3c: {  	p2 =	seq.s32 s10, $0x1;
	s10 =	sld [smem:$0x3FB6]  }
0x3d: {  	_ =	shalt  }
0x3e: {  	_ =	shalt  }
0x3f: {  	_ =	shalt  }
0x40: {  	_ =	shalt  }
0x41: {  	_ =	shalt  }
0x42: {  	_ =	shalt  }
0x43: {  	_ =	shalt  }
0x44: {  	_ =	shalt  }
0x45: {  	_ =	shalt  }
0x46: {  	_ =	shalt  }
0x47: {  	_ =	shalt  }
0x48: {  	_ =	shalt  }
0x49: {  	_ =	shalt  }
0x4a: {  	_ =	shalt  }
0x4b: {  	_ =	shalt  }
0x4c: {  	_ =	shalt  }
0x4d: {  	_ =	shalt  }
0x4e: {  	_ =	shalt  }
0x4f: {  	_ =	shalt  }
0x50: {  	_ =	shalt  }
0x51: {  	_ =	shalt  }
0x52: {  	_ =	shalt  }
0x53: {  	_ =	shalt  }
0x54: {  	_ =	shalt  }
0x55: {  	_ =	shalt  }
0x56: {  	_ =	shalt  }
0x57: {  	_ =	shalt  }
0x58: {  	_ =	shalt  }
0x59: {  	_ =	shalt  }
0x5a: {  	_ =	shalt  }
0x5b: {  	_ =	shalt  }
0x5c: {  	_ =	shalt  }
0x5d: {  	_ =	shalt  }
0x5e: {  	_ =	shalt  }
0x5f: {  	_ =	shalt  }
0x60: {  	_ =	shalt  }
0x61: {  	_ =	shalt  }
0x62: {  	_ =	shalt  }
0x63: {  	_ =	shalt  }
0x64: {  	_ =	shalt  }
0x65: {  	_ =	shalt  }
0x66: {  	_ =	shalt  }
0x67: {  	_ =	shalt  }
0x68: {  	_ =	shalt  }
0x69: {  	_ =	shalt  }
0x6a: {  	_ =	shalt  }
0x6b: {  	_ =	shalt  }
0x6c: {  	_ =	shalt  }
0x6d: {  	_ =	shalt  }
0x6e: {  	_ =	shalt  }
0x6f: {  	_ =	shalt  }
0x70: {  	_ =	shalt  }
0x71: {  	_ =	shalt  }
0x72: {  	_ =	shalt  }
0x73: {  	_ =	shalt  }
0x74: {  	_ =	shalt  }
0x75: {  	_ =	shalt  }
0x76: {  	_ =	shalt  }
0x77: {  	_ =	shalt  }
0x78: {  	_ =	shalt  }
0x79: {  	_ =	shalt  }
0x7a: {  	_ =	shalt  }
0x7b: {  	_ =	shalt  }
0x7c: {  	_ =	shalt  }
0x7d: {  	_ =	shalt  }
0x7e: {  	_ =	shalt  }
0x7f: {  	_ =	shalt  }
0x80: {  	_ =	shalt  }
0x81: {  	_ =	shalt  }
0x82: {  	_ =	shalt  }
0x83: {  	_ =	shalt  }
0x84: {  	_ =	shalt  }
0x85: {  	_ =	shalt  }
0x86: {  	_ =	shalt  }
0x87: {  	_ =	shalt  }
.Lfunc_end0:
.L_simem_size_0:
called_computation_lowered:
.L_overlay_start_0:
0x88: {  	s2 =	sld [smem:$0x3FD9]  }
0x89: {  	s3 =	sld [smem:$0x3FFE];
	_ =	sdelay $0x1  }
0x8a: {  	s1 =	srdreg.scid  }
0x8b: {  	s0 =	sand.u32 $0x1, s1  }
0x8c: {  	s17 =	sshll.u32 s0, $0xA;
	s2 =	sadd.s32 s3, s2  }
0x8d: {  	s2 =	sadd.s32 s2, s17  }
0x8e: {  	[smem:$0x3FC2] =	sst s2  }
0x8f: {  	_ = 	snop  }
0x90: {  	s2 =	sld [smem:$0x3FD0];
	(tm) =	ssettm $0x1  }
0x91: {  	s18 =	sld [smem:$0x3FFB];
	_ =	sdelay $0x3  }
0x92: {  	_ =	strace s18  }
0x93: {  	s3 =	sld [smem:$0x3FFC];
	_ =	sdelay $0x3  }
0x94: {  	_ =	strace s3  }
0x95: {  	s3 =	sld [smem:$0x3FFD];
	_ =	sdelay $0x3  }
0x96: {  	_ =	strace s3  }
0x97: {  	_ =	strace $0x8FFFFFFF  }
0x98: {  	s19 =	sld [smem:$0x3FDB];
	_ =	sdelay $0x1  }
0x99: {  	s4 =	simm.s32 $_scs_section_size  }
0x9a: {  	s5 =	simm.s32 $_size__tile_overlayer_lowered;
	s6 =	simm.s32 $_tile_overlayer_lowered  }
0x9b: {  	s22 =	simm.s32 $0x1BFF;
	s21 =	sshll.u32 s6, $0x1;
	s3 =	sadd.s32 s4, s19  }
0x9c: {  	s7 =	simm.s32 $0x0;
	s20 =	sshll.u32 s5, $0x1;
	s5 =	sadd.s32 s21, s3  }
0x9d: {  	[timem:s7], [sflag:s22] =	dma.local [hbm:s5], s20  }
0x9e: {  	_ =	swait.ge [sflag:s22], s20  }
0x9f: {  	s4 =	ssub.s32 $0x0, s20;
	[sflag:s22] =	ssyncset.done $0x0  }
0xa0: {  	[sflag:s22] =	ssyncadd.s32 s4;
	_ =	sdelay $0x1  }
0xa1: {  	s23 =	simm.s32 $0x1B8B  }
0xa2: {  	_ =	swait.ge [sflag:s23], $0x1  }
0xa3: {  	[sflag:s23] =	ssyncset.done $0x0  }
0xa4: {  	s25 =	simm.s32 $0x1B8E;
	s24 =	sld [smem:$0x3FFE];
	[sflag:s23] =	ssyncadd.s32 $0xFFFFFFFF  }
0xa5: {  	s26 =	simm.s32 $execute0_lowered;
	[smem:$0x3FD2] =	sst s25  }
0xa6: {  	s5 =	sshll.u32 s26, $0x1;
	_ =	strace $0x80000046;
	[dreg:$0x1] =	wrdreg $0xFFFFFFFF  }
0xa7: {  	s28 =	simm.s32 $_size_execute0_lowered;
	s3 =	sadd.s32 s3, s5;
	[dreg:$0x0] =	wrdreg $0x0  }
0xa8: {  	s5 =	sshll.u32 s28, $0x1;
	[dreg:$0x2] =	wrdreg s3  }
0xa9: {  	[dreg:$0x3] =	wrdreg s5  }
0xaa: {  	[dreg:$0x4] =	wrdreg $0xC0  }
0xab: {  	_ =	task [dreg:s7], $0x5FFFF  }
0xac: {  	[dreg:$0x1] =	wrdreg $0xFFFFFFFF  }
0xad: {  	[dreg:$0x0] =	wrdreg $0x60  }
0xae: {  	[dreg:$0x2] =	wrdreg s24  }
0xaf: {  	[dreg:$0x3] =	wrdreg s2  }
0xb0: {  	[dreg:$0x4] =	wrdreg $0x11CC00  }
0xb1: {  	[dreg:$0x5] =	wrdreg $0x1BCC00  }
0xb2: {  	[dreg:$0x6] =	wrdreg $0x9  }
0xb3: {  	_ =	task.clear_ibuf [dreg:s7], $0x7FFFF;
	_ =	strace $0x90000046  }
0xb4: {  	s29 =	simm.s32 $0x9;
	_ =	strace $0x80000048  }
0xb5: {  	_ =	swait.ge [sflag:s29], $0x1  }
0xb6: {  	[sflag:s29] =	ssyncadd.s32 $0xFFFFFFFF  }
0xb7: {  	_ =	strace $0x90000048  }
0xb8: {  	_ =	sfence  }
0xb9: {  	s30 =	sld [smem:$0x0];
	_ =	sdelay $0x2  }
0xba: {  	s31 =	sshll.u32 s1, $0xD;
	s1 =	sshrl.u32 s1, $0x2  }
0xbb: {  	s3 =	sand.u32 $0x4000, s31;
	s1 =	sadd.s32 s1, s30  }
0xbc: {  	s0 =	sor.u32 s3, s0;
	s1 =	sshll.u32 s1, $0x11  }
0xbd: {  	s0 =	sor.u32 s1, s0  }
0xbe: {  	s0 =	sadd.s32 $0x8F2B, s0  }
0xbf: {  	[sflag:s0] =	ssyncadd.remote.s32 $0x1  }
0xc0: {  	_ =	sfence.sel $0xFFFF  }
0xc1: {  	[dreg:$0x0] =	wrdreg $0xFFFFFFFF;
	(pc) =	sbr.abs _section_cstart, $3  }
0xc2: {  	[dreg:$0x1] =	wrdreg $0xFFFFFFFF  }
0xc3: {  	_ =	task.clear_ibuf [dreg:s7], $0x2FFFF;
	_ =	strace $0x9FFFFFFF  }
0xc4: {  	(tm) =	ssettm $0x7FFFFFFF  }
0xc5: {  	_ =	shalt  }
tec
execute0_lowered:
.L_overlay_start_1:
0x0: {  	(tag) =	ssettag $0x1  }
0x1: {  	s0 =	rddreg [dreg:$0x0]  }
0x2: {  	s3 =	rddreg [dreg:$0x1]  }
0x3: {  	s1 =	rddreg [dreg:$0x2]  }
0x4: {  	s2 =	rddreg [dreg:$0x3];
	s4 =	simm.s32 $0x0;
	s20 =	stileid.u32  }
0x5: {  	s6 =	srdreg.scid;
	s21 =	simm.s32 $0x1;
	s28 =	simm.s32 $0x2  }
0x6: {  	s29 =	simm.s32 $0x20;
	s22 =	simm.s32 $0x11C40;
	s23 =	smul.u32 $0x14000, s20  }
0x7: {  	[smem:$0x7FF] =	sst s4;
	s5 =	sadd.s32 $0x20200, s0;
	s17 =	smul.u32 $0x9C4, s20  }
0x8: {  	s16 =	sand.u32 $0x1, s6;
	s15 =	sadd.s32 $0x2800, s0;
	s9 =	smul.u32 $0x280, s20  }
0x9: {  	s18 =	sadd.s32 $0xC600, s0;
	s11 =	smul.u32 $0xA000, s20;
	s26 =	sshll.u32 s20, $0x6  }
0xa: {  	s20 =	simm.s32 $0xBC40;
	_ =	strace $0x80000047;
	s7 =	sshll.u32 s16, $0x6  }
0xb: {  	s24 =	ssub.s32 $0x2, s16;
	p0 =	seq.s32 s16, $0x0;
	p1 =	sne.s32 s16, $0x0  }
0xc: {  	s6 =	sor.u32 s7, s23;
	s12 =	sadd.s32 s17, s0;
	s8 =	sshrl.u32 s9, $0x3  }
0xd: {  	s10 =	sshrl.u32 s24, $0x1;
	s19 =	sadd.s32 s11, s1;
	s25 =	sshrl.u32 s11, $0x3  }
0xe: {  	s7 =	sor.u32 $0x1C03, s26;
	s18 =	smov.u32 @p0 s15;
	s23 =	simm.s32 $0x0  }
0xf: {  	s6 =	sshrl.u32 s6, $0x3;
	s14 =	ssub.s32 s24, s10;
	s3 =	sadd.s32 s3, s25  }
0x10: {  	s12 =	sadd.s32 $0x16400, s12;
	s16 =	sadd.s32 s18, s17;
	s17 =	simm.s32 $0x4E20  }
0x11: {  	s18 =	simm.s32 $0x80;
	s13 =	sadd.s32 s6, s0;
	s0 =	sadd.s32 s8, s0  }
.Ltmp0:
0x12: {  	[dreg:$0x5] =	wrdreg s3;
	s3 =	sadd.s32 s9, s2;
	(pc) =	sbr.rel .LBB2_1-.Ltmp0, $4  }
0x13: {  	s11 =	smax.u32 s14, $0x1;
	s8 =	simm.s32 $0x4EA0;
	s9 =	simm.s32 $0x9C20  }
0x14: {  	s14 =	simm.s32 $0x3;
	s30 =	sadd.s32 $0x158A00, s0;
	s31 =	sadd.s32 $0x159600, s13  }
0x15: {  	s10 =	sadd.s32 $0x159000, s0;
	s13 =	sshrl.u32 s19, $0x3;
	[dreg:$0x6] =	wrdreg s30  }
0x16: {  	v0 =	vimm.f32 $1.000000000e+00;
	s15 =	sshrl.u32 @!p0 s3, $0x3;
	s19 =	simm.s32 $0x9C40;
	[dreg:$0x7] =	wrdreg s31  }
.LBB2_7:
0x17: {  	[tilespmem:s24], [sflag:$0x1] =	stream.indirect.gather @!p3 [hbm4b:s5+s31], $0x40, s25, s31, $0xb8;
	[tilespmem:$0x1BF40] =	vst v63  }
0x18: {  	_ =	swait.ge [sflag:s28], $0x2000  }
0x19: {  	[sflag:s28] =	ssyncset.done $0x0  }
0x1a: {  	[sflag:s28] =	ssyncadd.s32 $0xFFFFE000  }
0x1b: {  	_ =	swait.ge [sflag:s28], $0x80  }
0x1c: {  	[sflag:s28] =	ssyncset.done $0x0  }
0x1d: {  	[sflag:s28] =	ssyncadd.s32 $0xFFFFFF80  }
0x1e: {  	_ =	swait.ge [sflag:s28], $0x2000  }
0x1f: {  	[sflag:s28] =	ssyncset.done $0x0  }
0x20: {  	[sflag:s28] =	ssyncadd.s32 $0xFFFFE000  }
0x21: {  	_ =	swait.ge [sflag:s28], $0x80  }
0x22: {  	[sflag:s28] =	ssyncset.done $0x0  }
0x23: {  	s0 =	simm.s32 $0x4E00;
	[sflag:s28] =	ssyncadd.s32 $0xFFFFFF80  }
0x24: {  	[tilespmem:s19], [sflag:$0x1] =	stream.indirect.gather [hbm4b:s5+s29], $0x40, s0, s29, $0xb8;
	[tilespmem:$0x1BF40] =	vst v63  }
0x25: {  	_ =	swait.ge [sflag:s21], $0x800  }
0x26: {  	[sflag:s21] =	ssyncset.done $0x0  }
0x27: {  	s31 =	simm.s32 $0x9C20;
	[sflag:s21] =	ssyncadd.s32 $0xFFFFF800  }
0x28: {  	[spmem:s1] =	stream.indirect.scatter.add.f32 [tilespmem:s19], [sflag:$0x3], $0x40, s31, s29, $0xb8;
	[tilespmem:$0x1BF40] =	vst v63  }
0x29: {  	_ =	swait.ge [sflag:s14], $0x800  }
0x2a: {  	[sflag:s14] =	ssyncset.done $0x0  }
0x2b: {  	[sflag:s14] =	ssyncadd.s32 $0xFFFFF800  }
0x2c: {  	[spmem:s2] =	stream.indirect.scatter.add.f32 [tilespmem:s22], [sflag:$0x3], $0x1, s31, s29, $0xb8;
	[tilespmem:$0x1BF40] =	vst v63  }
0x2d: {  	_ =	swait.ge [sflag:s14], $0x20  }
0x2e: {  	[sflag:s14] =	ssyncset.done $0x0  }
0x2f: {  	s9 =	simm.s32 $0x9C20;
	[sflag:s14] =	ssyncadd.s32 $0xFFFFFFE0  }
.LBB2_8:
0x30: {  	[bflag:$0x0] =	sbarrier.arrive $0xFFFF  }
0x31: {  	s3 =	simm.s32 $0x10;
	s6 =	simm.s32 $0x8;
	s0 =	rddreg [dreg:$0x7]  }
0x32: {  	[hbm:s0@s3], [sflag:s7] =	dma.strided [spmem:s13@s6], $0x1400, s21, $0x8   }
0x33: {  	s23 =	sadd.s32 $0x1, s23;
	_ =	swait.ge [sflag:s14], $0x1400  }
0x34: {  	p2 =	sne.s32 s23, s11;
	[sflag:s14] =	ssyncset.done $0x0  }
.Ltmp1:
0x35: {  	s0 =	simm.s32 @!p0 $0x3;
	[sflag:s14] =	ssyncadd.s32 $0xFFFFEC00;
	(pc) =	sbr.rel @!p2 .LBB2_9-.Ltmp1, $4  }
0x36: {  	[hbm:s10], [sflag:s7] =	dma.local @!p0 [spmem:s15], $0x50  }
0x37: {  	_ =	swait.ge @!p0 [sflag:s0], $0x50  }
0x38: {  	[sflag:s0] =	ssyncset.done @!p0 $0x0  }
0x39: {  	[sflag:s0] =	ssyncadd.s32 @!p0 $0xFFFFFFB0  }
.LBB2_1:
0x3a: {  	s0 =	rddreg [dreg:$0x5]  }
0x3b: {  	[spmem:s13], [sflag:s7] =	dma.local [hbm:s0], $0x1400  }
0x3c: {  	_ =	swait.ge [sflag:s14], $0x1400  }
0x3d: {  	[sflag:s14] =	ssyncset.done $0x0  }
0x3e: {  	s0 =	rddreg [dreg:$0x6];
	[sflag:s14] =	ssyncadd.s32 $0xFFFFEC00  }
0x3f: {  	[spmem:s15], [sflag:s7] =	dma.local @!p0 [hbm:s0], $0x50  }
0x40: {  	s0 =	simm.s32 @!p0 $0x3  }
0x41: {  	_ =	swait.ge @!p0 [sflag:s0], $0x50  }
0x42: {  	[sflag:s0] =	ssyncset.done @!p0 $0x0  }
0x43: {  	[sflag:s0] =	ssyncadd.s32 @!p0 $0xFFFFFFB0  }
0x44: {  	[tilespmem:s4], [sflag:$0x3] =	stream.linear.gather [hbm4b:s16+s4], $0x4E20, $0x38;
	[tilespmem:$0x1BF40] =	vst v63  }
0x45: {  	_ =	swait.ge [sflag:s14], $0x4E20  }
0x46: {  	[sflag:s14] =	ssyncset.done $0x0  }
0x47: {  	[sflag:s14] =	ssyncadd.s32 $0xFFFFB1E0  }
0x48: {  	[tilespmem:s17], [sflag:$0x3] =	stream.linear.gather [hbm4b:s12+s4], $0x4E20, $0x38;
	[tilespmem:$0x1BF40] =	vst v63  }
0x49: {  	_ =	swait.ge [sflag:s14], $0x4E20  }
0x4a: {  	[sflag:s14] =	ssyncset.done $0x0  }
0x4b: {  	[sflag:s14] =	ssyncadd.s32 $0xFFFFB1E0  }
0x4c: {  	[tilespmem:$0x11C40] =	vst v0  }
0x4d: {  	[tilespmem:$0x11C50] =	vst v0  }
0x4e: {  	[tilespmem:$0x11C60] =	vst v0  }
0x4f: {  	[tilespmem:$0x11C70] =	vst v0  }
0x50: {  	[tilespmem:$0x11C80] =	vst v0  }
0x51: {  	[tilespmem:$0x11C90] =	vst v0  }
0x52: {  	[tilespmem:$0x11CA0] =	vst v0  }
0x53: {  	[tilespmem:$0x11CB0] =	vst v0  }
0x54: {  	[bflag:$0x0] =	sbarrier.arrive $0xFFFF  }
0x55: {  	[tilespmem:s19], [sflag:$0x1] =	stream.indirect.gather [hbm4b:s5+s18], $0x40, s4, s18, $0xb8;
	[tilespmem:$0x1BF40] =	vst v63  }
0x56: {  	_ = 	snop  }
0x57: {  	[tilespmem:s20], [sflag:$0x1] =	stream.indirect.gather [hbm4b:s5+s18], $0x40, s18, s18, $0xb8;
	[tilespmem:$0x1BF40] =	vst v63  }
.Ltmp2:
0x58: {  	_ = 	snop;
	(pc) =	sbr.rel @p1 .LBB2_5-.Ltmp2, $4  }
0x59: {  	_ =	swait.ge [sflag:s21], $0x2000  }
0x5a: {  	[sflag:s21] =	ssyncset.done $0x0  }
0x5b: {  	[sflag:s21] =	ssyncadd.s32 $0xFFFFE000  }
0x5c: {  	[spmem:s1] =	stream.indirect.scatter.add.f32 [tilespmem:s19], [sflag:$0x2], $0x40, s17, s18, $0xb8;
	[tilespmem:$0x1BF40] =	vst v63  }
0x5d: {  	s0 =	simm.s32 $0x100;
	s3 =	simm.s32 $0xDC40  }
0x5e: {  	[tilespmem:s3], [sflag:$0x1] =	stream.indirect.gather [hbm4b:s5+s18], $0x40, s0, s18, $0xb8;
	[tilespmem:$0x1BF40] =	vst v63  }
0x5f: {  	_ =	swait.ge [sflag:s21], $0x2000  }
0x60: {  	[sflag:s21] =	ssyncset.done $0x0  }
0x61: {  	s25 =	simm.s32 $0x180;
	[sflag:s21] =	ssyncadd.s32 $0xFFFFE000  }
0x62: {  	[spmem:s1] =	stream.indirect.scatter.add.f32 [tilespmem:s20], [sflag:$0x2], $0x40, s8, s18, $0xb8;
	[tilespmem:$0x1BF40] =	vst v63  }
0x63: {  	s26 =	simm.s32 $0xFC40;
	s24 =	simm.s32 $0x8000;
	s6 =	simm.s32 $0x4000  }
0x64: {  	[tilespmem:s26], [sflag:$0x1] =	stream.indirect.gather [hbm4b:s5+s18], $0x40, s25, s18, $0xb8;
	[tilespmem:$0x1BF40] =	vst v63  }
0x65: {  	p2 =	por $0x0, $0x0;
	s3 =	simm.s32 $0x4F20;
	_ =	swait.ge [sflag:s21], $0x2000  }
0x66: {  	s30 =	sand.u32 $0x6000, s6;
	s0 =	simm.s32 $0x4FA0;
	[sflag:s21] =	ssyncset.done $0x0  }
0x67: {  	s24 =	sand.u32 @!p2 $0x6000, s24;
	s30 =	sor.u32 $0x9C40, s30;
	[sflag:s21] =	ssyncadd.s32 $0xFFFFE000  }
0x68: {  	[spmem:s1] =	stream.indirect.scatter.add.f32 [tilespmem:s30], [sflag:$0x2], $0x40, s3, s18, $0xb8;
	[tilespmem:$0x1BF40] =	vst v63  }
0x69: {  	s31 =	simm.s32 @!p2 $0x80;
	s24 =	sor.u32 @!p2 $0x9C40, s24;
	_ =	swait.ge [sflag:s28], $0x2000  }
0x6a: {  	s25 =	simm.s32 $0x200;
	s26 =	simm.s32 $0x3;
	[sflag:s28] =	ssyncset.done $0x0  }
0x6b: {  	s3 =	simm.s32 $0x280;
	s30 =	simm.s32 $0xA000;
	[sflag:s28] =	ssyncadd.s32 $0xFFFFE000  }
.LBB2_3:
0x6c: {  	[tilespmem:s24], [sflag:$0x1] =	stream.indirect.gather @!p2 [hbm4b:s5+s31], $0x40, s25, s31, $0xb8;
	[tilespmem:$0x1BF40] =	vst v63  }
0x6d: {  	s24 =	smov.u32 s26;
	s31 =	smov.u32 s0;
	s25 =	smov.u32 s3  }
0x6e: {  	s26 =	sadd.s32 $0x1, s26  }
0x6f: {  	s6 =	sadd.s32 $0xFFFFC000, s30;
	p3 =	sne.s32 s26, $0x9C;
	_ =	swait.ge [sflag:s21], $0x2000  }
0x70: {  	s0 =	sadd.s32 $0x80, s0;
	s6 =	sand.u32 $0x6000, s6;
	[sflag:s21] =	ssyncset.done $0x0  }
.Ltmp3:
0x71: {  	s6 =	sor.u32 $0x9C40, s6;
	[sflag:s21] =	ssyncadd.s32 $0xFFFFE000;
	(pc) =	sbr.rel @p3 .LBB2_3-.Ltmp3, $4  }
0x72: {  	[spmem:s1] =	stream.indirect.scatter.add.f32 [tilespmem:s6], [sflag:$0x2], $0x40, s31, s18, $0xb8;
	[tilespmem:$0x1BF40] =	vst v63  }
0x73: {  	s3 =	sadd.s32 $0x80, s3;
	p2 =	sgt.u32 s24, $0x99;
	_ =	swait.ge [sflag:s28], $0x2000  }
0x74: {  	s6 =	sand.u32 @!p2 $0x6000, s30;
	s30 =	sadd.s32 $0x2000, s30;
	[sflag:s28] =	ssyncset.done $0x0  }
0x75: {  	s31 =	simm.s32 @!p2 $0x80;
	s24 =	sor.u32 @!p2 $0x9C40, s6;
	[sflag:s28] =	ssyncadd.s32 $0xFFFFE000  }
0x76: {  	[tilespmem:s24], [sflag:$0x1] =	stream.indirect.gather @!p2 [hbm4b:s5+s31], $0x40, s25, s31, $0xb8;
	[tilespmem:$0x1BF40] =	vst v63  }
0x77: {  	_ =	swait.ge [sflag:s28], $0x2000  }
0x78: {  	[sflag:s28] =	ssyncset.done $0x0  }
0x79: {  	[sflag:s28] =	ssyncadd.s32 $0xFFFFE000  }
0x7a: {  	_ =	swait.ge [sflag:s28], $0x2000  }
0x7b: {  	[sflag:s28] =	ssyncset.done $0x0  }
0x7c: {  	s0 =	simm.s32 $0x4E00;
	[sflag:s28] =	ssyncadd.s32 $0xFFFFE000  }
0x7d: {  	[tilespmem:s19], [sflag:$0x1] =	stream.indirect.gather [hbm4b:s5+s29], $0x40, s0, s29, $0xb8;
	[tilespmem:$0x1BF40] =	vst v63  }
0x7e: {  	_ =	swait.ge [sflag:s21], $0x800  }
0x7f: {  	[sflag:s21] =	ssyncset.done $0x0  }
.Ltmp4:
0x80: {  	[sflag:s21] =	ssyncadd.s32 $0xFFFFF800;
	(pc) =	sbr.rel .LBB2_8-.Ltmp4, $4  }
0x81: {  	[spmem:s1] =	stream.indirect.scatter.add.f32 [tilespmem:s19], [sflag:$0x3], $0x40, s9, s29, $0xb8;
	[tilespmem:$0x1BF40] =	vst v63  }
0x82: {  	_ =	swait.ge [sflag:s14], $0x800  }
0x83: {  	[sflag:s14] =	ssyncset.done $0x0  }
0x84: {  	[sflag:s14] =	ssyncadd.s32 $0xFFFFF800  }
.LBB2_5:
0x85: {  	[spmem:s2] =	stream.indirect.scatter.add.f32 [tilespmem:s22], [sflag:$0x2], $0x1, s17, s18, $0xb8;
	[tilespmem:$0x1BF40] =	vst v63  }
0x86: {  	s0 =	simm.s32 $0x100;
	s3 =	simm.s32 $0xDC40  }
0x87: {  	[tilespmem:s3], [sflag:$0x1] =	stream.indirect.gather [hbm4b:s5+s18], $0x40, s0, s18, $0xb8;
	[tilespmem:$0x1BF40] =	vst v63  }
0x88: {  	_ =	swait.ge [sflag:s21], $0x2000  }
0x89: {  	[sflag:s21] =	ssyncset.done $0x0  }
0x8a: {  	s6 =	simm.s32 $0x4EA0;
	[sflag:s21] =	ssyncadd.s32 $0xFFFFE000  }
0x8b: {  	[spmem:s1] =	stream.indirect.scatter.add.f32 [tilespmem:s20], [sflag:$0x2], $0x40, s6, s18, $0xb8;
	[tilespmem:$0x1BF40] =	vst v63  }
0x8c: {  	_ = 	snop  }
0x8d: {  	[spmem:s2] =	stream.indirect.scatter.add.f32 [tilespmem:s22], [sflag:$0x2], $0x1, s6, s18, $0xb8;
	[tilespmem:$0x1BF40] =	vst v63  }
0x8e: {  	s9 =	simm.s32 $0x180;
	s24 =	simm.s32 $0xFC40  }
0x8f: {  	[tilespmem:s24], [sflag:$0x1] =	stream.indirect.gather [hbm4b:s5+s18], $0x40, s9, s18, $0xb8;
	[tilespmem:$0x1BF40] =	vst v63  }
0x90: {  	s25 =	simm.s32 $0x4000;
	_ =	swait.ge [sflag:s21], $0x2000  }
0x91: {  	s0 =	sand.u32 $0x6000, s25;
	[sflag:s21] =	ssyncset.done $0x0  }
0x92: {  	s26 =	simm.s32 $0x4F20;
	s0 =	sor.u32 $0x9C40, s0;
	[sflag:s21] =	ssyncadd.s32 $0xFFFFE000  }
0x93: {  	[spmem:s1] =	stream.indirect.scatter.add.f32 [tilespmem:s0], [sflag:$0x2], $0x40, s26, s18, $0xb8;
	[tilespmem:$0x1BF40] =	vst v63  }
0x94: {  	_ = 	snop  }
0x95: {  	[spmem:s2] =	stream.indirect.scatter.add.f32 [tilespmem:s22], [sflag:$0x2], $0x1, s26, s18, $0xb8;
	[tilespmem:$0x1BF40] =	vst v63  }
0x96: {  	s8 =	simm.s32 $0x4EA0;
	_ =	swait.ge [sflag:s28], $0x2000  }
0x97: {  	s30 =	simm.s32 $0x4FA0;
	p3 =	por $0x0, $0x0;
	[sflag:s28] =	ssyncset.done $0x0  }
0x98: {  	s31 =	simm.s32 @!p3 $0x80;
	s3 =	simm.s32 $0x8000;
	[sflag:s28] =	ssyncadd.s32 $0xFFFFE000  }
0x99: {  	s25 =	simm.s32 $0x200;
	s6 =	sand.u32 @!p3 $0x6000, s3;
	_ =	swait.ge [sflag:s28], $0x80  }
0x9a: {  	s3 =	simm.s32 $0xA000;
	s24 =	sor.u32 @!p3 $0x9C40, s6;
	[sflag:s28] =	ssyncset.done $0x0  }
0x9b: {  	s0 =	simm.s32 $0x280;
	s26 =	simm.s32 $0x3;
	[sflag:s28] =	ssyncadd.s32 $0xFFFFFF80  }
.LBB2_6:
0x9c: {  	[tilespmem:s24], [sflag:$0x1] =	stream.indirect.gather @!p3 [hbm4b:s5+s31], $0x40, s25, s31, $0xb8;
	[tilespmem:$0x1BF40] =	vst v63  }
0x9d: {  	s6 =	smov.u32 s26;
	s25 =	smov.u32 s0  }
0x9e: {  	s24 =	sadd.s32 $0xFFFFC000, s3;
	s26 =	sadd.s32 $0x1, s26;
	_ =	swait.ge [sflag:s21], $0x2000  }
0x9f: {  	s24 =	sand.u32 $0x6000, s24;
	p2 =	sne.s32 s26, $0x9C;
	[sflag:s21] =	ssyncset.done $0x0  }
0xa0: {  	s24 =	sor.u32 $0x9C40, s24;
	[sflag:s21] =	ssyncadd.s32 $0xFFFFE000  }
0xa1: {  	[spmem:s1] =	stream.indirect.scatter.add.f32 [tilespmem:s24], [sflag:$0x2], $0x40, s30, s18, $0xb8;
	[tilespmem:$0x1BF40] =	vst v63  }
0xa2: {  	_ = 	snop  }
0xa3: {  	[spmem:s2] =	stream.indirect.scatter.add.f32 [tilespmem:s22], [sflag:$0x2], $0x1, s30, s18, $0xb8;
	[tilespmem:$0x1BF40] =	vst v63  }
0xa4: {  	_ =	swait.ge [sflag:s28], $0x2000  }
.Ltmp5:
0xa5: {  	[sflag:s28] =	ssyncset.done $0x0;
	(pc) =	sbr.rel @p2 .LBB2_6-.Ltmp5, $4  }
0xa6: {  	s30 =	sadd.s32 $0x80, s30;
	[sflag:s28] =	ssyncadd.s32 $0xFFFFE000  }
0xa7: {  	s0 =	sadd.s32 $0x80, s0;
	p3 =	sgt.u32 s6, $0x99;
	_ =	swait.ge [sflag:s28], $0x80  }
0xa8: {  	s6 =	sand.u32 @!p3 $0x6000, s3;
	s3 =	sadd.s32 $0x2000, s3;
	[sflag:s28] =	ssyncset.done $0x0  }
0xa9: {  	s31 =	simm.s32 @!p3 $0x80;
	s24 =	sor.u32 @!p3 $0x9C40, s6;
	[sflag:s28] =	ssyncadd.s32 $0xFFFFFF80  }
.Ltmp6:
0xaa: {  	_ = 	snop;
	(pc) =	sbr.rel .LBB2_7-.Ltmp6, $1  }
0xab: {  	_ =	sdelay $0x3  }
.LBB2_9:
0xac: {  	_ =	sfence.sel $0x180000  }
0xad: {  	[bflag:$0x0] =	sbarrier.arrive $0xFFFF  }
0xae: {  	_ =	strace $0x90000047  }
0xaf: {  	s0 =	stileid.u32;
	[bflag:$0x2] =	sbarrier.arrive $0xFFFF  }
0xb0: {  	p0 =	sne.s32 s0, $0x0;
	s0 =	rddreg [dreg:$0x4]  }
0xb1: {  	s0 =	sadd.s32 @!p0 $0x100000, s0  }
0xb2: {  	[sflag:s0] =	ssyncadd.tile.s32 @!p0 $0x1;
	_ =	shalt  }
.Lfunc_end2:
_tile_overlayer_lowered:
.L_overlay_start_2:
0xb3: {  	(tag) =	ssettag $0x2  }
0xb4: {  	s0 =	rddreg [dreg:$0x0];
	s2 =	stileid.u32  }
0xb5: {  	s1 =	rddreg [dreg:$0x1];
	p0 =	sne.s32 s2, $0x0  }
0xb6: {  	s3 =	rddreg [dreg:$0x2];
	[bflag:$0x3] =	sbarrier.arrive $0xFFFF;
	s2 =	simm.s32 @!p0 $0x1C03  }
0xb7: {  	[timem:s3], [sflag:s2] =	dma.local @!p0 [hbm:s0], s1  }
0xb8: {  	s0 =	simm.s32 @!p0 $0x3  }
0xb9: {  	_ =	swait.ge @!p0 [sflag:s0], s1  }
0xba: {  	s1 =	ssub.s32 @!p0 $0x0, s1;
	[sflag:s0] =	ssyncset.done @!p0 $0x0  }
0xbb: {  	[sflag:s0] =	ssyncadd.s32 @!p0 s1  }
0xbc: {  	[bflag:$0x3] =	sbarrier.arrive $0xFFFF  }
0xbd: {  	_ =	shalt  }

</sc_bundles>
